<compile_context>
chip_gen: v7x
topology: tpu7x:2x2x1
jax: 0.10.2.dev20260603
libtpu: 0.0.44.dev20260713+nightly
codegen_flags: <defaults>
</compile_context>

<pallas_src>
import functools

import jax
import jax.numpy as jnp
from jax import lax
from jax.experimental import pallas as pl
from jax.experimental.pallas import tpu as pltpu
from jax.experimental.pallas import tpu_sc as plsc

LANES = 16
BLK = 128
CB = 40


@functools.cache
def _build_call(n_nodes: int, n_edges: int):
    num_cores, num_subcores = 2, 16
    nw = num_cores * num_subcores
    n_nodes_pad = (n_nodes + 7) // 8 * 8
    chunk = CB * BLK
    rows_per_chunk = 2 * CB
    assert n_edges % chunk == 0
    n_global = n_edges // chunk
    n_full = n_global // nw
    n_extra = n_global % nw
    assert n_full >= 2
    n_inner = chunk // LANES

    mesh = plsc.VectorSubcoreMesh(
        core_axis_name="c", subcore_axis_name="s",
        num_cores=num_cores, num_subcores=num_subcores,
    )

    @functools.partial(
        pl.kernel,
        out_type=jax.ShapeDtypeStruct((n_edges,), jnp.float32),
        mesh=mesh,
        compiler_params=pltpu.CompilerParams(needs_layout_passes=False),
        scratch_types=[
            pltpu.VMEM((n_nodes_pad,), jnp.int32),
            pltpu.VMEM((96,), jnp.float32),
            pltpu.VMEM((rows_per_chunk, BLK), jnp.int32),
            pltpu.VMEM((rows_per_chunk, BLK), jnp.int32),
            pltpu.VMEM((chunk,), jnp.float32),
            pltpu.VMEM((chunk,), jnp.float32),
            pltpu.SemaphoreType.DMA((2,)),
            pltpu.SemaphoreType.DMA((2,)),
        ],
    )
    def _sc_bias(types_hbm, edge_hbm, aux_hbm, out_hbm,
                 types_v, param_v, ebuf0, ebuf1,
                 out_v0, out_v1, isem, osem):
        ebufs = (ebuf0, ebuf1)
        outs = (out_v0, out_v1)
        wid = lax.axis_index("s") * num_cores + lax.axis_index("c")
        n_my = n_full + jnp.where(wid < n_extra, 1, 0)

        def in_copy(i, b):
            gidx = i * nw + wid
            return pltpu.make_async_copy(
                edge_hbm.at[pl.ds(gidx * rows_per_chunk, rows_per_chunk), :],
                ebufs[b], isem.at[b])

        def out_copy(i, b):
            gidx = i * nw + wid
            return pltpu.make_async_copy(
                outs[b], out_hbm.at[pl.ds(gidx * chunk, chunk)], osem.at[b])

        in_copy(0, 0).start()
        in_copy(1, 1).start()

        pltpu.sync_copy(types_hbm, types_v)
        pltpu.sync_copy(aux_hbm, param_v.at[pl.ds(0, 48)])

        iota = lax.iota(jnp.int32, LANES)
        for k in range(2):
            idx = iota + LANES * k
            a = lax.shift_right_logical(idx * 13, 6)
            b = idx - a * 5
            va = plsc.load_gather(param_v, [a])
            vb = plsc.load_gather(param_v, [b])
            vc = plsc.load_gather(param_v, [idx + 5])
            param_v[pl.ds(48 + LANES * k, LANES)] = va + vb + vc

        def compute(b):
            ebuf, out_v = ebufs[b], outs[b]

            @plsc.parallel_loop(0, n_inner, step=1, unroll=8)
            def _(i):
                j2 = (i >> 3) * 2
                c = (i & 7) * LANES
                r16 = ebuf[j2, pl.ds(c, LANES)]
                c16 = ebuf[j2 + 1, pl.ds(c, LANES)]
                ti = plsc.load_gather(types_v, [r16])
                tj = plsc.load_gather(types_v, [c16])
                comb = ti * 5 + (tj + 48)
                out_v[pl.ds(i * LANES, LANES)] = plsc.load_gather(
                    param_v, [comb])

        def body(i, carry):
            for b in range(2):
                @pl.when((i & 1) == b)
                def _():
                    in_copy(i, b).wait()

                    @pl.when(i >= 2)
                    def _():
                        out_copy(i - 2, b).wait()

                    compute(b)
                    out_copy(i, b).start()

                    @pl.when(i + 2 < n_my)
                    def _():
                        in_copy(i + 2, b).start()

            return carry

        lax.fori_loop(0, n_my, body, 0)
        out_copy(0, 0).wait()
        out_copy(1, 1).wait()

    return _sc_bias


def kernel(motif_types, edge_index, motif_importance, cross_motif_bias):
    n_nodes = motif_types.shape[0]
    n_edges = edge_index.shape[1]
    num_types = motif_importance.shape[0]
    n_nodes_pad = (n_nodes + 7) // 8 * 8
    nblk = n_edges // BLK
    edges = (
        edge_index.astype(jnp.int32)
        .reshape(2, nblk, BLK)
        .transpose(1, 0, 2)
        .reshape(2 * nblk, BLK)
    )
    types = jnp.pad(motif_types.astype(jnp.int32), (0, n_nodes_pad - n_nodes))
    aux = jnp.pad(
        jnp.concatenate([
            motif_importance.astype(jnp.float32),
            cross_motif_bias.astype(jnp.float32).reshape(-1),
        ]),
        (0, 48 - num_types - num_types * num_types),
    )
    return _build_call(n_nodes, n_edges)(types, edges, aux)

# --- scband reference (transcript-rebuilt; emitter-appended) ---
"""Pipeline reference for scband-motif-attention-bias-40458591928764 (READ-ONLY COPY).

The authoritative reference and input builder live on the scoring server;
editing this copy changes nothing except your own understanding.
"""

import jax, jax.numpy as jnp
import numpy as np

N_NODES = 100000
N_EDGES = 6400000
NUM_MOTIF_TYPES = 5
TEMPERATURE = 1.0


def setup_inputs(seed: int = 0) -> dict:
    key = jax.random.key(seed)
    k1, k2 = jax.random.split(key, 2)
    motif_types = jax.random.randint(k1, (N_NODES,), 0, NUM_MOTIF_TYPES)
    edge_index = jax.random.randint(k2, (2, N_EDGES), 0, N_NODES)
    # learned params, initialized like the torch module
    motif_importance = jnp.array([0.0, 1.0, 0.8, 0.6, 0.4], dtype=jnp.float32)
    cross_motif_bias = jnp.zeros((NUM_MOTIF_TYPES, NUM_MOTIF_TYPES), dtype=jnp.float32)
    cross_motif_bias = cross_motif_bias.at[1, 2].set(1.0)
    cross_motif_bias = cross_motif_bias.at[2, 1].set(1.0)
    cross_motif_bias = cross_motif_bias.at[1, 3].set(0.8)
    cross_motif_bias = cross_motif_bias.at[3, 1].set(0.8)
    return {
        "motif_types": motif_types,
        "edge_index": edge_index,
        "motif_importance": motif_importance,
        "cross_motif_bias": cross_motif_bias,
    }


def reference(motif_types, edge_index, motif_importance, cross_motif_bias):
    row = edge_index[0]
    col = edge_index[1]
    type_i = jnp.take(motif_types, row, axis=0)
    type_j = jnp.take(motif_types, col, axis=0)
    node_importance_i = jnp.take(motif_importance, type_i, axis=0)
    node_importance_j = jnp.take(motif_importance, type_j, axis=0)
    cross_bias = cross_motif_bias[type_i, type_j]
    bias = (node_importance_i + node_importance_j + cross_bias) / TEMPERATURE
    return bias

if __name__ == "__main__":
    import jax
    _d = setup_inputs()
    print(jax.jit(kernel)(*tuple(_d.values())))

</pallas_src>

<mosaic_0001>
#map = affine_map<(d0, d1) -> (0)>
#map1 = affine_map<(d0, d1) -> (0, 0)>
module attributes {stable_mosaic.version = 14 : i64} {
  func.func @_sc_bias(%arg0: i32, %arg1: i32, %arg2: memref<100000xi32, #tpu.memory_space<hbm>>, %arg3: memref<100000x128xi32, #tpu.memory_space<hbm>>, %arg4: memref<48xf32, #tpu.memory_space<hbm>>, %arg5: memref<6400000xf32, #tpu.memory_space<hbm>>, %arg6: memref<100000xi32, #tpu.memory_space<vmem>>, %arg7: memref<96xf32, #tpu.memory_space<vmem>>, %arg8: memref<80x128xi32, #tpu.memory_space<vmem>>, %arg9: memref<80x128xi32, #tpu.memory_space<vmem>>, %arg10: memref<5120xf32, #tpu.memory_space<vmem>>, %arg11: memref<5120xf32, #tpu.memory_space<vmem>>, %arg12: memref<2x!tpu.dma_semaphore, #tpu.memory_space<semaphore_mem>>, %arg13: memref<2x!tpu.dma_semaphore, #tpu.memory_space<semaphore_mem>>) attributes {dimension_semantics = [#tpu.dimension_semantics<core_parallel>, #tpu.dimension_semantics<subcore_parallel>], iteration_bounds = array<i64: 2, 16>, scalar_prefetch = 0 : i64, scratch_operands = 8 : i64, tpu.core_type = #tpu.core_type<sc_vector_subcore>, window_params = [{transform_indices = #map}, {transform_indices = #map1}, {transform_indices = #map}, {transform_indices = #map}]} {
    %mul3A = arith.constant 2 : i32
    %mul3A_0 = arith.muli %arg1, %mul3A : i32
    %add3A = arith.addi %mul3A_0, %arg0 : i32
    %lt3A = arith.constant 2 : i32
    %lt3A_1 = arith.cmpi slt, %add3A, %lt3A : i32
    %jit3A = arith.constant 1 : i32
    %jit3A_2 = arith.constant 0 : i32
    %select_n3A = arith.select %lt3A_1, %jit3A, %jit3A_2 : i32
    %add3A_3 = arith.constant 39 : i32
    %add3A_4 = arith.addi %add3A_3, %select_n3A : i32
    %add3A_5 = arith.constant 0 : i32
    %add3A_6 = arith.addi %add3A_5, %add3A : i32
    %mul3A_7 = arith.constant 80 : i32
    %mul3A_8 = arith.muli %add3A_6, %mul3A_7 : i32
    %dma_start3A = arith.constant 0 : i32
    %dma_start3A_9 = arith.constant 0 : i32
    %dma_start3A_10 = tpu.memref_slice %arg3[%mul3A_8, %dma_start3A_9] : memref<100000x128xi32, #tpu.memory_space<hbm>> -> memref<80x128xi32, #tpu.memory_space<hbm>>
    %dma_start3A_11 = tpu.memref_slice %arg12[%dma_start3A] : memref<2x!tpu.dma_semaphore, #tpu.memory_space<semaphore_mem>> -> memref<1x!tpu.dma_semaphore, #tpu.memory_space<semaphore_mem>>
    %dma_start3A_12 = tpu.memref_squeeze %dma_start3A_11 : memref<1x!tpu.dma_semaphore, #tpu.memory_space<semaphore_mem>> -> memref<!tpu.dma_semaphore, #tpu.memory_space<semaphore_mem>>
    %dma_start3A_13 = arith.constant 0 : i32
    %dma_start3A_14 = tpu.memref_slice %arg3[%mul3A_8, %dma_start3A_13] : memref<100000x128xi32, #tpu.memory_space<hbm>> -> memref<80x128xi32, #tpu.memory_space<hbm>>
    tpu.enqueue_dma source(%dma_start3A_14 : memref<80x128xi32, #tpu.memory_space<hbm>>) target(%arg8 : memref<80x128xi32, #tpu.memory_space<vmem>>) target_semaphore(%dma_start3A_12 : memref<!tpu.dma_semaphore, #tpu.memory_space<semaphore_mem>>)
    %add3A_15 = arith.constant 32 : i32
    %add3A_16 = arith.addi %add3A_15, %add3A : i32
    %mul3A_17 = arith.constant 80 : i32
    %mul3A_18 = arith.muli %add3A_16, %mul3A_17 : i32
    %dma_start3A_19 = arith.constant 1 : i32
    %dma_start3A_20 = arith.constant 0 : i32
    %dma_start3A_21 = tpu.memref_slice %arg3[%mul3A_18, %dma_start3A_20] : memref<100000x128xi32, #tpu.memory_space<hbm>> -> memref<80x128xi32, #tpu.memory_space<hbm>>
    %dma_start3A_22 = tpu.memref_slice %arg12[%dma_start3A_19] : memref<2x!tpu.dma_semaphore, #tpu.memory_space<semaphore_mem>> -> memref<1x!tpu.dma_semaphore, #tpu.memory_space<semaphore_mem>>
    %dma_start3A_23 = tpu.memref_squeeze %dma_start3A_22 : memref<1x!tpu.dma_semaphore, #tpu.memory_space<semaphore_mem>> -> memref<!tpu.dma_semaphore, #tpu.memory_space<semaphore_mem>>
    %dma_start3A_24 = arith.constant 0 : i32
    %dma_start3A_25 = tpu.memref_slice %arg3[%mul3A_18, %dma_start3A_24] : memref<100000x128xi32, #tpu.memory_space<hbm>> -> memref<80x128xi32, #tpu.memory_space<hbm>>
    tpu.enqueue_dma source(%dma_start3A_25 : memref<80x128xi32, #tpu.memory_space<hbm>>) target(%arg9 : memref<80x128xi32, #tpu.memory_space<vmem>>) target_semaphore(%dma_start3A_23 : memref<!tpu.dma_semaphore, #tpu.memory_space<semaphore_mem>>)
    "tpu.region"() ({
      %run_scoped3A = tpu.sem_alloc : memref<!tpu.dma_semaphore, #tpu.memory_space<semaphore_mem>>
      tpu.enqueue_dma source(%arg2 : memref<100000xi32, #tpu.memory_space<hbm>>) target(%arg6 : memref<100000xi32, #tpu.memory_space<vmem>>) target_semaphore(%run_scoped3A : memref<!tpu.dma_semaphore, #tpu.memory_space<semaphore_mem>>)
      tpu.wait_dma2 semaphore(%run_scoped3A : memref<!tpu.dma_semaphore, #tpu.memory_space<semaphore_mem>>) src(%arg2 : memref<100000xi32, #tpu.memory_space<hbm>>) dst(%arg6 : memref<100000xi32, #tpu.memory_space<vmem>>)
      tpu.yield
    }) : () -> ()
    "tpu.region"() ({
      %run_scoped3A = tpu.sem_alloc : memref<!tpu.dma_semaphore, #tpu.memory_space<semaphore_mem>>
      %dma_start3A_94 = arith.constant 0 : i32
      %dma_start3A_95 = tpu.memref_slice %arg7[%dma_start3A_94] : memref<96xf32, #tpu.memory_space<vmem>> -> memref<48xf32, #tpu.memory_space<vmem>>
      %dma_start3A_96 = arith.constant 0 : i32
      %dma_start3A_97 = tpu.memref_slice %arg7[%dma_start3A_96] : memref<96xf32, #tpu.memory_space<vmem>> -> memref<48xf32, #tpu.memory_space<vmem>>
      tpu.enqueue_dma source(%arg4 : memref<48xf32, #tpu.memory_space<hbm>>) target(%dma_start3A_97 : memref<48xf32, #tpu.memory_space<vmem>>) target_semaphore(%run_scoped3A : memref<!tpu.dma_semaphore, #tpu.memory_space<semaphore_mem>>)
      %dma_wait3A_98 = arith.constant 0 : i32
      %dma_wait3A_99 = tpu.memref_slice %arg7[%dma_wait3A_98] : memref<96xf32, #tpu.memory_space<vmem>> -> memref<48xf32, #tpu.memory_space<vmem>>
      %dma_wait3A_100 = arith.constant 0 : i32
      %dma_wait3A_101 = tpu.memref_slice %arg7[%dma_wait3A_100] : memref<96xf32, #tpu.memory_space<vmem>> -> memref<48xf32, #tpu.memory_space<vmem>>
      tpu.wait_dma2 semaphore(%run_scoped3A : memref<!tpu.dma_semaphore, #tpu.memory_space<semaphore_mem>>) src(%arg4 : memref<48xf32, #tpu.memory_space<hbm>>) dst(%dma_wait3A_101 : memref<48xf32, #tpu.memory_space<vmem>>)
      tpu.yield
    }) : () -> ()
    %iota3A = tpu.iota {dimensions = array<i32: 0>} : vector<16xi32>
    %add3A_26 = arith.constant 0 : i32
    %add3A_27 = vector.broadcast %add3A_26 : i32 to vector<16xi32>
    %add3A_28 = arith.addi %iota3A, %add3A_27 : vector<16xi32>
    %mul3A_29 = arith.constant 13 : i32
    %mul3A_30 = vector.broadcast %mul3A_29 : i32 to vector<16xi32>
    %mul3A_31 = arith.muli %add3A_28, %mul3A_30 : vector<16xi32>
    %shift_right_logical3A = arith.constant 6 : i32
    %shift_right_logical3A_32 = vector.broadcast %shift_right_logical3A : i32 to vector<16xi32>
    %shift_right_logical3A_33 = arith.shrui %mul3A_31, %shift_right_logical3A_32 : vector<16xi32>
    %mul3A_34 = arith.constant 5 : i32
    %mul3A_35 = vector.broadcast %mul3A_34 : i32 to vector<16xi32>
    %mul3A_36 = arith.muli %shift_right_logical3A_33, %mul3A_35 : vector<16xi32>
    %sub3A = arith.subi %add3A_28, %mul3A_36 : vector<16xi32>
    %gather3A = tpu.vector_load_idx %arg7[%shift_right_logical3A_33] : memref<96xf32, #tpu.memory_space<vmem>>[vector<16xi32>], vector<16xf32>,
    %gather3A_37 = tpu.vector_load_idx %arg7[%sub3A] : memref<96xf32, #tpu.memory_space<vmem>>[vector<16xi32>], vector<16xf32>,
    %add3A_38 = arith.constant 5 : i32
    %add3A_39 = vector.broadcast %add3A_38 : i32 to vector<16xi32>
    %add3A_40 = arith.addi %add3A_28, %add3A_39 : vector<16xi32>
    %gather3A_41 = tpu.vector_load_idx %arg7[%add3A_40] : memref<96xf32, #tpu.memory_space<vmem>>[vector<16xi32>], vector<16xf32>,
    %add3A_42 = arith.addf %gather3A, %gather3A_37 : vector<16xf32>
    %add3A_43 = arith.addf %add3A_42, %gather3A_41 : vector<16xf32>
    %swap3A = arith.constant 48 : index
    %swap3A_44 = tpu.vector_load %arg7[%swap3A] {strides = array<i32>} : memref<96xf32, #tpu.memory_space<vmem>>, vector<16xf32>,
    tpu.vector_store %arg7[%swap3A], %add3A_43 {strides = array<i32>} : memref<96xf32, #tpu.memory_space<vmem>>, vector<16xf32>,
    %add3A_45 = arith.constant 16 : i32
    %add3A_46 = vector.broadcast %add3A_45 : i32 to vector<16xi32>
    %add3A_47 = arith.addi %iota3A, %add3A_46 : vector<16xi32>
    %mul3A_48 = arith.constant 13 : i32
    %mul3A_49 = vector.broadcast %mul3A_48 : i32 to vector<16xi32>
    %mul3A_50 = arith.muli %add3A_47, %mul3A_49 : vector<16xi32>
    %shift_right_logical3A_51 = arith.constant 6 : i32
    %shift_right_logical3A_52 = vector.broadcast %shift_right_logical3A_51 : i32 to vector<16xi32>
    %shift_right_logical3A_53 = arith.shrui %mul3A_50, %shift_right_logical3A_52 : vector<16xi32>
    %mul3A_54 = arith.constant 5 : i32
    %mul3A_55 = vector.broadcast %mul3A_54 : i32 to vector<16xi32>
    %mul3A_56 = arith.muli %shift_right_logical3A_53, %mul3A_55 : vector<16xi32>
    %sub3A_57 = arith.subi %add3A_47, %mul3A_56 : vector<16xi32>
    %gather3A_58 = tpu.vector_load_idx %arg7[%shift_right_logical3A_53] : memref<96xf32, #tpu.memory_space<vmem>>[vector<16xi32>], vector<16xf32>,
    %gather3A_59 = tpu.vector_load_idx %arg7[%sub3A_57] : memref<96xf32, #tpu.memory_space<vmem>>[vector<16xi32>], vector<16xf32>,
    %add3A_60 = arith.constant 5 : i32
    %add3A_61 = vector.broadcast %add3A_60 : i32 to vector<16xi32>
    %add3A_62 = arith.addi %add3A_47, %add3A_61 : vector<16xi32>
    %gather3A_63 = tpu.vector_load_idx %arg7[%add3A_62] : memref<96xf32, #tpu.memory_space<vmem>>[vector<16xi32>], vector<16xf32>,
    %add3A_64 = arith.addf %gather3A_58, %gather3A_59 : vector<16xf32>
    %add3A_65 = arith.addf %add3A_64, %gather3A_63 : vector<16xf32>
    %swap3A_66 = arith.constant 64 : index
    %swap3A_67 = tpu.vector_load %arg7[%swap3A_66] {strides = array<i32>} : memref<96xf32, #tpu.memory_space<vmem>>, vector<16xf32>,
    tpu.vector_store %arg7[%swap3A_66], %add3A_65 {strides = array<i32>} : memref<96xf32, #tpu.memory_space<vmem>>, vector<16xf32>,
    %while3A = arith.constant 0 : i32
    %while3A_68 = arith.constant 0 : i32
    %while3A_69 = arith.subi %add3A_4, %while3A_68 : i32
    %while3A_70 = arith.addi %while3A_68, %while3A_69 : i32
    %while3A_71 = arith.constant 1 : i32
    %while3A_72 = arith.divsi %while3A_69, %while3A_71 : i32
    %while3A_73 = arith.muli %while3A_72, %while3A_71 : i32
    %while3A_74 = arith.addi %while3A_68, %while3A_73 : i32
    %while3A_75 = arith.constant 1 : i32
    scf.for %while3A_94 = %while3A_68 to %while3A_74 step %while3A_75  : i32 {
      %and3A = arith.constant 1 : i32
      %and3A_95 = arith.andi %while3A_94, %and3A : i32
      %eq3A = arith.constant 0 : i32
      %eq3A_96 = arith.cmpi eq, %and3A_95, %eq3A : i32
      %convert_element_type3A = arith.extui %eq3A_96 : i1 to i32
      %cond3A = arith.constant 0 : i32
      %cond3A_97 = arith.cmpi ne, %convert_element_type3A, %cond3A : i32
      scf.if %cond3A_97 {
        %mul3A_105 = arith.constant 32 : i32
        %mul3A_106 = arith.muli %while3A_94, %mul3A_105 : i32
        %add3A_107 = arith.addi %mul3A_106, %add3A : i32
        %mul3A_108 = arith.constant 80 : i32
        %mul3A_109 = arith.muli %add3A_107, %mul3A_108 : i32
        %dma_wait3A_110 = arith.constant 0 : i32
        %dma_wait3A_111 = arith.constant 0 : i32
        %dma_wait3A_112 = tpu.memref_slice %arg3[%mul3A_109, %dma_wait3A_111] : memref<100000x128xi32, #tpu.memory_space<hbm>> -> memref<80x128xi32, #tpu.memory_space<hbm>>
        %dma_wait3A_113 = tpu.memref_slice %arg12[%dma_wait3A_110] : memref<2x!tpu.dma_semaphore, #tpu.memory_space<semaphore_mem>> -> memref<1x!tpu.dma_semaphore, #tpu.memory_space<semaphore_mem>>
        %dma_wait3A_114 = tpu.memref_squeeze %dma_wait3A_113 : memref<1x!tpu.dma_semaphore, #tpu.memory_space<semaphore_mem>> -> memref<!tpu.dma_semaphore, #tpu.memory_space<semaphore_mem>>
        %dma_wait3A_115 = arith.constant 0 : i32
        %dma_wait3A_116 = tpu.memref_slice %arg3[%mul3A_109, %dma_wait3A_115] : memref<100000x128xi32, #tpu.memory_space<hbm>> -> memref<80x128xi32, #tpu.memory_space<hbm>>
        tpu.wait_dma2 semaphore(%dma_wait3A_114 : memref<!tpu.dma_semaphore, #tpu.memory_space<semaphore_mem>>) src(%dma_wait3A_116 : memref<80x128xi32, #tpu.memory_space<hbm>>) dst(%arg8 : memref<80x128xi32, #tpu.memory_space<vmem>>)
        %ge3A = arith.constant 2 : i32
        %ge3A_117 = arith.cmpi sge, %while3A_94, %ge3A : i32
        %convert_element_type3A_118 = arith.extui %ge3A_117 : i1 to i32
        %cond3A_119 = arith.constant 0 : i32
        %cond3A_120 = arith.cmpi ne, %convert_element_type3A_118, %cond3A_119 : i32
        scf.if %cond3A_120 {
          %sub3A_139 = arith.constant 2 : i32
          %sub3A_140 = arith.subi %while3A_94, %sub3A_139 : i32
          %mul3A_141 = arith.constant 32 : i32
          %mul3A_142 = arith.muli %sub3A_140, %mul3A_141 : i32
          %add3A_143 = arith.addi %mul3A_142, %add3A : i32
          %mul3A_144 = arith.constant 5120 : i32
          %mul3A_145 = arith.muli %add3A_143, %mul3A_144 : i32
          %dma_wait3A_146 = arith.constant 0 : i32
          %dma_wait3A_147 = tpu.memref_slice %arg5[%mul3A_145] : memref<6400000xf32, #tpu.memory_space<hbm>> -> memref<5120xf32, #tpu.memory_space<hbm>>
          %dma_wait3A_148 = tpu.memref_slice %arg13[%dma_wait3A_146] : memref<2x!tpu.dma_semaphore, #tpu.memory_space<semaphore_mem>> -> memref<1x!tpu.dma_semaphore, #tpu.memory_space<semaphore_mem>>
          %dma_wait3A_149 = tpu.memref_squeeze %dma_wait3A_148 : memref<1x!tpu.dma_semaphore, #tpu.memory_space<semaphore_mem>> -> memref<!tpu.dma_semaphore, #tpu.memory_space<semaphore_mem>>
          %dma_wait3A_150 = tpu.memref_slice %arg5[%mul3A_145] : memref<6400000xf32, #tpu.memory_space<hbm>> -> memref<5120xf32, #tpu.memory_space<hbm>>
          tpu.wait_dma2 semaphore(%dma_wait3A_149 : memref<!tpu.dma_semaphore, #tpu.memory_space<semaphore_mem>>) src(%arg10 : memref<5120xf32, #tpu.memory_space<vmem>>) dst(%dma_wait3A_150 : memref<5120xf32, #tpu.memory_space<hbm>>)
        } else {
        }
        %parallel_loop3A = arith.constant 0 : i32
        %parallel_loop3A_121 = arith.constant 320 : i32
        %parallel_loop3A_122 = arith.constant 1 : i32
        scf.for %parallel_loop3A_139 = %parallel_loop3A to %parallel_loop3A_121 step %parallel_loop3A_122  : i32 {
          %parallel_loop3A_140 = arith.constant 3 : i32
          %parallel_loop3A_141 = arith.shrsi %parallel_loop3A_139, %parallel_loop3A_140 : i32
          %parallel_loop3A_142 = arith.constant 2 : i32
          %parallel_loop3A_143 = arith.muli %parallel_loop3A_141, %parallel_loop3A_142 : i32
          %parallel_loop3A_144 = arith.constant 7 : i32
          %parallel_loop3A_145 = arith.andi %parallel_loop3A_139, %parallel_loop3A_144 : i32
          %parallel_loop3A_146 = arith.constant 16 : i32
          %parallel_loop3A_147 = arith.muli %parallel_loop3A_145, %parallel_loop3A_146 : i32
          %parallel_loop3A_148 = arith.index_cast %parallel_loop3A_143 : i32 to index
          %parallel_loop3A_149 = arith.index_cast %parallel_loop3A_147 : i32 to index
          %parallel_loop3A_150 = tpu.vector_load %arg8[%parallel_loop3A_148, %parallel_loop3A_149] {strides = array<i32>} : memref<80x128xi32, #tpu.memory_space<vmem>>, vector<16xi32>,
          %parallel_loop3A_151 = arith.constant 1 : i32
          %parallel_loop3A_152 = arith.addi %parallel_loop3A_143, %parallel_loop3A_151 : i32
          %parallel_loop3A_153 = arith.index_cast %parallel_loop3A_152 : i32 to index
          %parallel_loop3A_154 = arith.index_cast %parallel_loop3A_147 : i32 to index
          %parallel_loop3A_155 = tpu.vector_load %arg8[%parallel_loop3A_153, %parallel_loop3A_154] {strides = array<i32>} : memref<80x128xi32, #tpu.memory_space<vmem>>, vector<16xi32>,
          %parallel_loop3A_156 = tpu.vector_load_idx %arg6[%parallel_loop3A_150] : memref<100000xi32, #tpu.memory_space<vmem>>[vector<16xi32>], vector<16xi32>,
          %parallel_loop3A_157 = tpu.vector_load_idx %arg6[%parallel_loop3A_155] : memref<100000xi32, #tpu.memory_space<vmem>>[vector<16xi32>], vector<16xi32>,
          %parallel_loop3A_158 = arith.constant 5 : i32
          %parallel_loop3A_159 = vector.broadcast %parallel_loop3A_158 : i32 to vector<16xi32>
          %parallel_loop3A_160 = arith.muli %parallel_loop3A_156, %parallel_loop3A_159 : vector<16xi32>
          %parallel_loop3A_161 = arith.constant 48 : i32
          %parallel_loop3A_162 = vector.broadcast %parallel_loop3A_161 : i32 to vector<16xi32>
          %parallel_loop3A_163 = arith.addi %parallel_loop3A_157, %parallel_loop3A_162 : vector<16xi32>
          %parallel_loop3A_164 = arith.addi %parallel_loop3A_160, %parallel_loop3A_163 : vector<16xi32>
          %parallel_loop3A_165 = tpu.vector_load_idx %arg7[%parallel_loop3A_164] : memref<96xf32, #tpu.memory_space<vmem>>[vector<16xi32>], vector<16xf32>,
          %parallel_loop3A_166 = arith.constant 16 : i32
          %parallel_loop3A_167 = arith.muli %parallel_loop3A_139, %parallel_loop3A_166 : i32
          %parallel_loop3A_168 = arith.index_cast %parallel_loop3A_167 : i32 to index
          %parallel_loop3A_169 = tpu.vector_load %arg10[%parallel_loop3A_168] {strides = array<i32>} : memref<5120xf32, #tpu.memory_space<vmem>>, vector<16xf32>,
          tpu.vector_store %arg10[%parallel_loop3A_168], %parallel_loop3A_165 {strides = array<i32>} : memref<5120xf32, #tpu.memory_space<vmem>>, vector<16xf32>,
        } {sc.loop_unroll_factor = 8 : i64, sc.parallel_access}
        %mul3A_123 = arith.constant 32 : i32
        %mul3A_124 = arith.muli %while3A_94, %mul3A_123 : i32
        %add3A_125 = arith.addi %mul3A_124, %add3A : i32
        %mul3A_126 = arith.constant 5120 : i32
        %mul3A_127 = arith.muli %add3A_125, %mul3A_126 : i32
        %dma_start3A_128 = arith.constant 0 : i32
        %dma_start3A_129 = tpu.memref_slice %arg5[%mul3A_127] : memref<6400000xf32, #tpu.memory_space<hbm>> -> memref<5120xf32, #tpu.memory_space<hbm>>
        %dma_start3A_130 = tpu.memref_slice %arg13[%dma_start3A_128] : memref<2x!tpu.dma_semaphore, #tpu.memory_space<semaphore_mem>> -> memref<1x!tpu.dma_semaphore, #tpu.memory_space<semaphore_mem>>
        %dma_start3A_131 = tpu.memref_squeeze %dma_start3A_130 : memref<1x!tpu.dma_semaphore, #tpu.memory_space<semaphore_mem>> -> memref<!tpu.dma_semaphore, #tpu.memory_space<semaphore_mem>>
        %dma_start3A_132 = tpu.memref_slice %arg5[%mul3A_127] : memref<6400000xf32, #tpu.memory_space<hbm>> -> memref<5120xf32, #tpu.memory_space<hbm>>
        tpu.enqueue_dma source(%arg10 : memref<5120xf32, #tpu.memory_space<vmem>>) target(%dma_start3A_132 : memref<5120xf32, #tpu.memory_space<hbm>>) target_semaphore(%dma_start3A_131 : memref<!tpu.dma_semaphore, #tpu.memory_space<semaphore_mem>>)
        %add3A_133 = arith.constant 2 : i32
        %add3A_134 = arith.addi %while3A_94, %add3A_133 : i32
        %lt3A_135 = arith.cmpi slt, %add3A_134, %add3A_4 : i32
        %convert_element_type3A_136 = arith.extui %lt3A_135 : i1 to i32
        %cond3A_137 = arith.constant 0 : i32
        %cond3A_138 = arith.cmpi ne, %convert_element_type3A_136, %cond3A_137 : i32
        scf.if %cond3A_138 {
          %add3A_139 = arith.constant 2 : i32
          %add3A_140 = arith.addi %while3A_94, %add3A_139 : i32
          %mul3A_141 = arith.constant 32 : i32
          %mul3A_142 = arith.muli %add3A_140, %mul3A_141 : i32
          %add3A_143 = arith.addi %mul3A_142, %add3A : i32
          %mul3A_144 = arith.constant 80 : i32
          %mul3A_145 = arith.muli %add3A_143, %mul3A_144 : i32
          %dma_start3A_146 = arith.constant 0 : i32
          %dma_start3A_147 = arith.constant 0 : i32
          %dma_start3A_148 = tpu.memref_slice %arg3[%mul3A_145, %dma_start3A_147] : memref<100000x128xi32, #tpu.memory_space<hbm>> -> memref<80x128xi32, #tpu.memory_space<hbm>>
          %dma_start3A_149 = tpu.memref_slice %arg12[%dma_start3A_146] : memref<2x!tpu.dma_semaphore, #tpu.memory_space<semaphore_mem>> -> memref<1x!tpu.dma_semaphore, #tpu.memory_space<semaphore_mem>>
          %dma_start3A_150 = tpu.memref_squeeze %dma_start3A_149 : memref<1x!tpu.dma_semaphore, #tpu.memory_space<semaphore_mem>> -> memref<!tpu.dma_semaphore, #tpu.memory_space<semaphore_mem>>
          %dma_start3A_151 = arith.constant 0 : i32
          %dma_start3A_152 = tpu.memref_slice %arg3[%mul3A_145, %dma_start3A_151] : memref<100000x128xi32, #tpu.memory_space<hbm>> -> memref<80x128xi32, #tpu.memory_space<hbm>>
          tpu.enqueue_dma source(%dma_start3A_152 : memref<80x128xi32, #tpu.memory_space<hbm>>) target(%arg8 : memref<80x128xi32, #tpu.memory_space<vmem>>) target_semaphore(%dma_start3A_150 : memref<!tpu.dma_semaphore, #tpu.memory_space<semaphore_mem>>)
        } else {
        }
      } else {
      }
      %and3A_98 = arith.constant 1 : i32
      %and3A_99 = arith.andi %while3A_94, %and3A_98 : i32
      %eq3A_100 = arith.constant 1 : i32
      %eq3A_101 = arith.cmpi eq, %and3A_99, %eq3A_100 : i32
      %convert_element_type3A_102 = arith.extui %eq3A_101 : i1 to i32
      %cond3A_103 = arith.constant 0 : i32
      %cond3A_104 = arith.cmpi ne, %convert_element_type3A_102, %cond3A_103 : i32
      scf.if %cond3A_104 {
        %mul3A_105 = arith.constant 32 : i32
        %mul3A_106 = arith.muli %while3A_94, %mul3A_105 : i32
        %add3A_107 = arith.addi %mul3A_106, %add3A : i32
        %mul3A_108 = arith.constant 80 : i32
        %mul3A_109 = arith.muli %add3A_107, %mul3A_108 : i32
        %dma_wait3A_110 = arith.constant 1 : i32
        %dma_wait3A_111 = arith.constant 0 : i32
        %dma_wait3A_112 = tpu.memref_slice %arg3[%mul3A_109, %dma_wait3A_111] : memref<100000x128xi32, #tpu.memory_space<hbm>> -> memref<80x128xi32, #tpu.memory_space<hbm>>
        %dma_wait3A_113 = tpu.memref_slice %arg12[%dma_wait3A_110] : memref<2x!tpu.dma_semaphore, #tpu.memory_space<semaphore_mem>> -> memref<1x!tpu.dma_semaphore, #tpu.memory_space<semaphore_mem>>
        %dma_wait3A_114 = tpu.memref_squeeze %dma_wait3A_113 : memref<1x!tpu.dma_semaphore, #tpu.memory_space<semaphore_mem>> -> memref<!tpu.dma_semaphore, #tpu.memory_space<semaphore_mem>>
        %dma_wait3A_115 = arith.constant 0 : i32
        %dma_wait3A_116 = tpu.memref_slice %arg3[%mul3A_109, %dma_wait3A_115] : memref<100000x128xi32, #tpu.memory_space<hbm>> -> memref<80x128xi32, #tpu.memory_space<hbm>>
        tpu.wait_dma2 semaphore(%dma_wait3A_114 : memref<!tpu.dma_semaphore, #tpu.memory_space<semaphore_mem>>) src(%dma_wait3A_116 : memref<80x128xi32, #tpu.memory_space<hbm>>) dst(%arg9 : memref<80x128xi32, #tpu.memory_space<vmem>>)
        %ge3A = arith.constant 2 : i32
        %ge3A_117 = arith.cmpi sge, %while3A_94, %ge3A : i32
        %convert_element_type3A_118 = arith.extui %ge3A_117 : i1 to i32
        %cond3A_119 = arith.constant 0 : i32
        %cond3A_120 = arith.cmpi ne, %convert_element_type3A_118, %cond3A_119 : i32
        scf.if %cond3A_120 {
          %sub3A_139 = arith.constant 2 : i32
          %sub3A_140 = arith.subi %while3A_94, %sub3A_139 : i32
          %mul3A_141 = arith.constant 32 : i32
          %mul3A_142 = arith.muli %sub3A_140, %mul3A_141 : i32
          %add3A_143 = arith.addi %mul3A_142, %add3A : i32
          %mul3A_144 = arith.constant 5120 : i32
          %mul3A_145 = arith.muli %add3A_143, %mul3A_144 : i32
          %dma_wait3A_146 = arith.constant 1 : i32
          %dma_wait3A_147 = tpu.memref_slice %arg5[%mul3A_145] : memref<6400000xf32, #tpu.memory_space<hbm>> -> memref<5120xf32, #tpu.memory_space<hbm>>
          %dma_wait3A_148 = tpu.memref_slice %arg13[%dma_wait3A_146] : memref<2x!tpu.dma_semaphore, #tpu.memory_space<semaphore_mem>> -> memref<1x!tpu.dma_semaphore, #tpu.memory_space<semaphore_mem>>
          %dma_wait3A_149 = tpu.memref_squeeze %dma_wait3A_148 : memref<1x!tpu.dma_semaphore, #tpu.memory_space<semaphore_mem>> -> memref<!tpu.dma_semaphore, #tpu.memory_space<semaphore_mem>>
          %dma_wait3A_150 = tpu.memref_slice %arg5[%mul3A_145] : memref<6400000xf32, #tpu.memory_space<hbm>> -> memref<5120xf32, #tpu.memory_space<hbm>>
          tpu.wait_dma2 semaphore(%dma_wait3A_149 : memref<!tpu.dma_semaphore, #tpu.memory_space<semaphore_mem>>) src(%arg11 : memref<5120xf32, #tpu.memory_space<vmem>>) dst(%dma_wait3A_150 : memref<5120xf32, #tpu.memory_space<hbm>>)
        } else {
        }
        %parallel_loop3A = arith.constant 0 : i32
        %parallel_loop3A_121 = arith.constant 320 : i32
        %parallel_loop3A_122 = arith.constant 1 : i32
        scf.for %parallel_loop3A_139 = %parallel_loop3A to %parallel_loop3A_121 step %parallel_loop3A_122  : i32 {
          %parallel_loop3A_140 = arith.constant 3 : i32
          %parallel_loop3A_141 = arith.shrsi %parallel_loop3A_139, %parallel_loop3A_140 : i32
          %parallel_loop3A_142 = arith.constant 2 : i32
          %parallel_loop3A_143 = arith.muli %parallel_loop3A_141, %parallel_loop3A_142 : i32
          %parallel_loop3A_144 = arith.constant 7 : i32
          %parallel_loop3A_145 = arith.andi %parallel_loop3A_139, %parallel_loop3A_144 : i32
          %parallel_loop3A_146 = arith.constant 16 : i32
          %parallel_loop3A_147 = arith.muli %parallel_loop3A_145, %parallel_loop3A_146 : i32
          %parallel_loop3A_148 = arith.index_cast %parallel_loop3A_143 : i32 to index
          %parallel_loop3A_149 = arith.index_cast %parallel_loop3A_147 : i32 to index
          %parallel_loop3A_150 = tpu.vector_load %arg9[%parallel_loop3A_148, %parallel_loop3A_149] {strides = array<i32>} : memref<80x128xi32, #tpu.memory_space<vmem>>, vector<16xi32>,
          %parallel_loop3A_151 = arith.constant 1 : i32
          %parallel_loop3A_152 = arith.addi %parallel_loop3A_143, %parallel_loop3A_151 : i32
          %parallel_loop3A_153 = arith.index_cast %parallel_loop3A_152 : i32 to index
          %parallel_loop3A_154 = arith.index_cast %parallel_loop3A_147 : i32 to index
          %parallel_loop3A_155 = tpu.vector_load %arg9[%parallel_loop3A_153, %parallel_loop3A_154] {strides = array<i32>} : memref<80x128xi32, #tpu.memory_space<vmem>>, vector<16xi32>,
          %parallel_loop3A_156 = tpu.vector_load_idx %arg6[%parallel_loop3A_150] : memref<100000xi32, #tpu.memory_space<vmem>>[vector<16xi32>], vector<16xi32>,
          %parallel_loop3A_157 = tpu.vector_load_idx %arg6[%parallel_loop3A_155] : memref<100000xi32, #tpu.memory_space<vmem>>[vector<16xi32>], vector<16xi32>,
          %parallel_loop3A_158 = arith.constant 5 : i32
          %parallel_loop3A_159 = vector.broadcast %parallel_loop3A_158 : i32 to vector<16xi32>
          %parallel_loop3A_160 = arith.muli %parallel_loop3A_156, %parallel_loop3A_159 : vector<16xi32>
          %parallel_loop3A_161 = arith.constant 48 : i32
          %parallel_loop3A_162 = vector.broadcast %parallel_loop3A_161 : i32 to vector<16xi32>
          %parallel_loop3A_163 = arith.addi %parallel_loop3A_157, %parallel_loop3A_162 : vector<16xi32>
          %parallel_loop3A_164 = arith.addi %parallel_loop3A_160, %parallel_loop3A_163 : vector<16xi32>
          %parallel_loop3A_165 = tpu.vector_load_idx %arg7[%parallel_loop3A_164] : memref<96xf32, #tpu.memory_space<vmem>>[vector<16xi32>], vector<16xf32>,
          %parallel_loop3A_166 = arith.constant 16 : i32
          %parallel_loop3A_167 = arith.muli %parallel_loop3A_139, %parallel_loop3A_166 : i32
          %parallel_loop3A_168 = arith.index_cast %parallel_loop3A_167 : i32 to index
          %parallel_loop3A_169 = tpu.vector_load %arg11[%parallel_loop3A_168] {strides = array<i32>} : memref<5120xf32, #tpu.memory_space<vmem>>, vector<16xf32>,
          tpu.vector_store %arg11[%parallel_loop3A_168], %parallel_loop3A_165 {strides = array<i32>} : memref<5120xf32, #tpu.memory_space<vmem>>, vector<16xf32>,
        } {sc.loop_unroll_factor = 8 : i64, sc.parallel_access}
        %mul3A_123 = arith.constant 32 : i32
        %mul3A_124 = arith.muli %while3A_94, %mul3A_123 : i32
        %add3A_125 = arith.addi %mul3A_124, %add3A : i32
        %mul3A_126 = arith.constant 5120 : i32
        %mul3A_127 = arith.muli %add3A_125, %mul3A_126 : i32
        %dma_start3A_128 = arith.constant 1 : i32
        %dma_start3A_129 = tpu.memref_slice %arg5[%mul3A_127] : memref<6400000xf32, #tpu.memory_space<hbm>> -> memref<5120xf32, #tpu.memory_space<hbm>>
        %dma_start3A_130 = tpu.memref_slice %arg13[%dma_start3A_128] : memref<2x!tpu.dma_semaphore, #tpu.memory_space<semaphore_mem>> -> memref<1x!tpu.dma_semaphore, #tpu.memory_space<semaphore_mem>>
        %dma_start3A_131 = tpu.memref_squeeze %dma_start3A_130 : memref<1x!tpu.dma_semaphore, #tpu.memory_space<semaphore_mem>> -> memref<!tpu.dma_semaphore, #tpu.memory_space<semaphore_mem>>
        %dma_start3A_132 = tpu.memref_slice %arg5[%mul3A_127] : memref<6400000xf32, #tpu.memory_space<hbm>> -> memref<5120xf32, #tpu.memory_space<hbm>>
        tpu.enqueue_dma source(%arg11 : memref<5120xf32, #tpu.memory_space<vmem>>) target(%dma_start3A_132 : memref<5120xf32, #tpu.memory_space<hbm>>) target_semaphore(%dma_start3A_131 : memref<!tpu.dma_semaphore, #tpu.memory_space<semaphore_mem>>)
        %add3A_133 = arith.constant 2 : i32
        %add3A_134 = arith.addi %while3A_94, %add3A_133 : i32
        %lt3A_135 = arith.cmpi slt, %add3A_134, %add3A_4 : i32
        %convert_element_type3A_136 = arith.extui %lt3A_135 : i1 to i32
        %cond3A_137 = arith.constant 0 : i32
        %cond3A_138 = arith.cmpi ne, %convert_element_type3A_136, %cond3A_137 : i32
        scf.if %cond3A_138 {
          %add3A_139 = arith.constant 2 : i32
          %add3A_140 = arith.addi %while3A_94, %add3A_139 : i32
          %mul3A_141 = arith.constant 32 : i32
          %mul3A_142 = arith.muli %add3A_140, %mul3A_141 : i32
          %add3A_143 = arith.addi %mul3A_142, %add3A : i32
          %mul3A_144 = arith.constant 80 : i32
          %mul3A_145 = arith.muli %add3A_143, %mul3A_144 : i32
          %dma_start3A_146 = arith.constant 1 : i32
          %dma_start3A_147 = arith.constant 0 : i32
          %dma_start3A_148 = tpu.memref_slice %arg3[%mul3A_145, %dma_start3A_147] : memref<100000x128xi32, #tpu.memory_space<hbm>> -> memref<80x128xi32, #tpu.memory_space<hbm>>
          %dma_start3A_149 = tpu.memref_slice %arg12[%dma_start3A_146] : memref<2x!tpu.dma_semaphore, #tpu.memory_space<semaphore_mem>> -> memref<1x!tpu.dma_semaphore, #tpu.memory_space<semaphore_mem>>
          %dma_start3A_150 = tpu.memref_squeeze %dma_start3A_149 : memref<1x!tpu.dma_semaphore, #tpu.memory_space<semaphore_mem>> -> memref<!tpu.dma_semaphore, #tpu.memory_space<semaphore_mem>>
          %dma_start3A_151 = arith.constant 0 : i32
          %dma_start3A_152 = tpu.memref_slice %arg3[%mul3A_145, %dma_start3A_151] : memref<100000x128xi32, #tpu.memory_space<hbm>> -> memref<80x128xi32, #tpu.memory_space<hbm>>
          tpu.enqueue_dma source(%dma_start3A_152 : memref<80x128xi32, #tpu.memory_space<hbm>>) target(%arg9 : memref<80x128xi32, #tpu.memory_space<vmem>>) target_semaphore(%dma_start3A_150 : memref<!tpu.dma_semaphore, #tpu.memory_space<semaphore_mem>>)
        } else {
        }
      } else {
      }
    }
    %while3A_76 = arith.constant 1 : i32
    scf.for %while3A_94 = %while3A_74 to %while3A_70 step %while3A_76  : i32 {
      %and3A = arith.constant 1 : i32
      %and3A_95 = arith.andi %while3A_94, %and3A : i32
      %eq3A = arith.constant 0 : i32
      %eq3A_96 = arith.cmpi eq, %and3A_95, %eq3A : i32
      %convert_element_type3A = arith.extui %eq3A_96 : i1 to i32
      %cond3A = arith.constant 0 : i32
      %cond3A_97 = arith.cmpi ne, %convert_element_type3A, %cond3A : i32
      scf.if %cond3A_97 {
        %mul3A_105 = arith.constant 32 : i32
        %mul3A_106 = arith.muli %while3A_94, %mul3A_105 : i32
        %add3A_107 = arith.addi %mul3A_106, %add3A : i32
        %mul3A_108 = arith.constant 80 : i32
        %mul3A_109 = arith.muli %add3A_107, %mul3A_108 : i32
        %dma_wait3A_110 = arith.constant 0 : i32
        %dma_wait3A_111 = arith.constant 0 : i32
        %dma_wait3A_112 = tpu.memref_slice %arg3[%mul3A_109, %dma_wait3A_111] : memref<100000x128xi32, #tpu.memory_space<hbm>> -> memref<80x128xi32, #tpu.memory_space<hbm>>
        %dma_wait3A_113 = tpu.memref_slice %arg12[%dma_wait3A_110] : memref<2x!tpu.dma_semaphore, #tpu.memory_space<semaphore_mem>> -> memref<1x!tpu.dma_semaphore, #tpu.memory_space<semaphore_mem>>
        %dma_wait3A_114 = tpu.memref_squeeze %dma_wait3A_113 : memref<1x!tpu.dma_semaphore, #tpu.memory_space<semaphore_mem>> -> memref<!tpu.dma_semaphore, #tpu.memory_space<semaphore_mem>>
        %dma_wait3A_115 = arith.constant 0 : i32
        %dma_wait3A_116 = tpu.memref_slice %arg3[%mul3A_109, %dma_wait3A_115] : memref<100000x128xi32, #tpu.memory_space<hbm>> -> memref<80x128xi32, #tpu.memory_space<hbm>>
        tpu.wait_dma2 semaphore(%dma_wait3A_114 : memref<!tpu.dma_semaphore, #tpu.memory_space<semaphore_mem>>) src(%dma_wait3A_116 : memref<80x128xi32, #tpu.memory_space<hbm>>) dst(%arg8 : memref<80x128xi32, #tpu.memory_space<vmem>>)
        %ge3A = arith.constant 2 : i32
        %ge3A_117 = arith.cmpi sge, %while3A_94, %ge3A : i32
        %convert_element_type3A_118 = arith.extui %ge3A_117 : i1 to i32
        %cond3A_119 = arith.constant 0 : i32
        %cond3A_120 = arith.cmpi ne, %convert_element_type3A_118, %cond3A_119 : i32
        scf.if %cond3A_120 {
          %sub3A_139 = arith.constant 2 : i32
          %sub3A_140 = arith.subi %while3A_94, %sub3A_139 : i32
          %mul3A_141 = arith.constant 32 : i32
          %mul3A_142 = arith.muli %sub3A_140, %mul3A_141 : i32
          %add3A_143 = arith.addi %mul3A_142, %add3A : i32
          %mul3A_144 = arith.constant 5120 : i32
          %mul3A_145 = arith.muli %add3A_143, %mul3A_144 : i32
          %dma_wait3A_146 = arith.constant 0 : i32
          %dma_wait3A_147 = tpu.memref_slice %arg5[%mul3A_145] : memref<6400000xf32, #tpu.memory_space<hbm>> -> memref<5120xf32, #tpu.memory_space<hbm>>
          %dma_wait3A_148 = tpu.memref_slice %arg13[%dma_wait3A_146] : memref<2x!tpu.dma_semaphore, #tpu.memory_space<semaphore_mem>> -> memref<1x!tpu.dma_semaphore, #tpu.memory_space<semaphore_mem>>
          %dma_wait3A_149 = tpu.memref_squeeze %dma_wait3A_148 : memref<1x!tpu.dma_semaphore, #tpu.memory_space<semaphore_mem>> -> memref<!tpu.dma_semaphore, #tpu.memory_space<semaphore_mem>>
          %dma_wait3A_150 = tpu.memref_slice %arg5[%mul3A_145] : memref<6400000xf32, #tpu.memory_space<hbm>> -> memref<5120xf32, #tpu.memory_space<hbm>>
          tpu.wait_dma2 semaphore(%dma_wait3A_149 : memref<!tpu.dma_semaphore, #tpu.memory_space<semaphore_mem>>) src(%arg10 : memref<5120xf32, #tpu.memory_space<vmem>>) dst(%dma_wait3A_150 : memref<5120xf32, #tpu.memory_space<hbm>>)
        } else {
        }
        %parallel_loop3A = arith.constant 0 : i32
        %parallel_loop3A_121 = arith.constant 320 : i32
        %parallel_loop3A_122 = arith.constant 1 : i32
        scf.for %parallel_loop3A_139 = %parallel_loop3A to %parallel_loop3A_121 step %parallel_loop3A_122  : i32 {
          %parallel_loop3A_140 = arith.constant 3 : i32
          %parallel_loop3A_141 = arith.shrsi %parallel_loop3A_139, %parallel_loop3A_140 : i32
          %parallel_loop3A_142 = arith.constant 2 : i32
          %parallel_loop3A_143 = arith.muli %parallel_loop3A_141, %parallel_loop3A_142 : i32
          %parallel_loop3A_144 = arith.constant 7 : i32
          %parallel_loop3A_145 = arith.andi %parallel_loop3A_139, %parallel_loop3A_144 : i32
          %parallel_loop3A_146 = arith.constant 16 : i32
          %parallel_loop3A_147 = arith.muli %parallel_loop3A_145, %parallel_loop3A_146 : i32
          %parallel_loop3A_148 = arith.index_cast %parallel_loop3A_143 : i32 to index
          %parallel_loop3A_149 = arith.index_cast %parallel_loop3A_147 : i32 to index
          %parallel_loop3A_150 = tpu.vector_load %arg8[%parallel_loop3A_148, %parallel_loop3A_149] {strides = array<i32>} : memref<80x128xi32, #tpu.memory_space<vmem>>, vector<16xi32>,
          %parallel_loop3A_151 = arith.constant 1 : i32
          %parallel_loop3A_152 = arith.addi %parallel_loop3A_143, %parallel_loop3A_151 : i32
          %parallel_loop3A_153 = arith.index_cast %parallel_loop3A_152 : i32 to index
          %parallel_loop3A_154 = arith.index_cast %parallel_loop3A_147 : i32 to index
          %parallel_loop3A_155 = tpu.vector_load %arg8[%parallel_loop3A_153, %parallel_loop3A_154] {strides = array<i32>} : memref<80x128xi32, #tpu.memory_space<vmem>>, vector<16xi32>,
          %parallel_loop3A_156 = tpu.vector_load_idx %arg6[%parallel_loop3A_150] : memref<100000xi32, #tpu.memory_space<vmem>>[vector<16xi32>], vector<16xi32>,
          %parallel_loop3A_157 = tpu.vector_load_idx %arg6[%parallel_loop3A_155] : memref<100000xi32, #tpu.memory_space<vmem>>[vector<16xi32>], vector<16xi32>,
          %parallel_loop3A_158 = arith.constant 5 : i32
          %parallel_loop3A_159 = vector.broadcast %parallel_loop3A_158 : i32 to vector<16xi32>
          %parallel_loop3A_160 = arith.muli %parallel_loop3A_156, %parallel_loop3A_159 : vector<16xi32>
          %parallel_loop3A_161 = arith.constant 48 : i32
          %parallel_loop3A_162 = vector.broadcast %parallel_loop3A_161 : i32 to vector<16xi32>
          %parallel_loop3A_163 = arith.addi %parallel_loop3A_157, %parallel_loop3A_162 : vector<16xi32>
          %parallel_loop3A_164 = arith.addi %parallel_loop3A_160, %parallel_loop3A_163 : vector<16xi32>
          %parallel_loop3A_165 = tpu.vector_load_idx %arg7[%parallel_loop3A_164] : memref<96xf32, #tpu.memory_space<vmem>>[vector<16xi32>], vector<16xf32>,
          %parallel_loop3A_166 = arith.constant 16 : i32
          %parallel_loop3A_167 = arith.muli %parallel_loop3A_139, %parallel_loop3A_166 : i32
          %parallel_loop3A_168 = arith.index_cast %parallel_loop3A_167 : i32 to index
          %parallel_loop3A_169 = tpu.vector_load %arg10[%parallel_loop3A_168] {strides = array<i32>} : memref<5120xf32, #tpu.memory_space<vmem>>, vector<16xf32>,
          tpu.vector_store %arg10[%parallel_loop3A_168], %parallel_loop3A_165 {strides = array<i32>} : memref<5120xf32, #tpu.memory_space<vmem>>, vector<16xf32>,
        } {sc.loop_unroll_factor = 8 : i64, sc.parallel_access}
        %mul3A_123 = arith.constant 32 : i32
        %mul3A_124 = arith.muli %while3A_94, %mul3A_123 : i32
        %add3A_125 = arith.addi %mul3A_124, %add3A : i32
        %mul3A_126 = arith.constant 5120 : i32
        %mul3A_127 = arith.muli %add3A_125, %mul3A_126 : i32
        %dma_start3A_128 = arith.constant 0 : i32
        %dma_start3A_129 = tpu.memref_slice %arg5[%mul3A_127] : memref<6400000xf32, #tpu.memory_space<hbm>> -> memref<5120xf32, #tpu.memory_space<hbm>>
        %dma_start3A_130 = tpu.memref_slice %arg13[%dma_start3A_128] : memref<2x!tpu.dma_semaphore, #tpu.memory_space<semaphore_mem>> -> memref<1x!tpu.dma_semaphore, #tpu.memory_space<semaphore_mem>>
        %dma_start3A_131 = tpu.memref_squeeze %dma_start3A_130 : memref<1x!tpu.dma_semaphore, #tpu.memory_space<semaphore_mem>> -> memref<!tpu.dma_semaphore, #tpu.memory_space<semaphore_mem>>
        %dma_start3A_132 = tpu.memref_slice %arg5[%mul3A_127] : memref<6400000xf32, #tpu.memory_space<hbm>> -> memref<5120xf32, #tpu.memory_space<hbm>>
        tpu.enqueue_dma source(%arg10 : memref<5120xf32, #tpu.memory_space<vmem>>) target(%dma_start3A_132 : memref<5120xf32, #tpu.memory_space<hbm>>) target_semaphore(%dma_start3A_131 : memref<!tpu.dma_semaphore, #tpu.memory_space<semaphore_mem>>)
        %add3A_133 = arith.constant 2 : i32
        %add3A_134 = arith.addi %while3A_94, %add3A_133 : i32
        %lt3A_135 = arith.cmpi slt, %add3A_134, %add3A_4 : i32
        %convert_element_type3A_136 = arith.extui %lt3A_135 : i1 to i32
        %cond3A_137 = arith.constant 0 : i32
        %cond3A_138 = arith.cmpi ne, %convert_element_type3A_136, %cond3A_137 : i32
        scf.if %cond3A_138 {
          %add3A_139 = arith.constant 2 : i32
          %add3A_140 = arith.addi %while3A_94, %add3A_139 : i32
          %mul3A_141 = arith.constant 32 : i32
          %mul3A_142 = arith.muli %add3A_140, %mul3A_141 : i32
          %add3A_143 = arith.addi %mul3A_142, %add3A : i32
          %mul3A_144 = arith.constant 80 : i32
          %mul3A_145 = arith.muli %add3A_143, %mul3A_144 : i32
          %dma_start3A_146 = arith.constant 0 : i32
          %dma_start3A_147 = arith.constant 0 : i32
          %dma_start3A_148 = tpu.memref_slice %arg3[%mul3A_145, %dma_start3A_147] : memref<100000x128xi32, #tpu.memory_space<hbm>> -> memref<80x128xi32, #tpu.memory_space<hbm>>
          %dma_start3A_149 = tpu.memref_slice %arg12[%dma_start3A_146] : memref<2x!tpu.dma_semaphore, #tpu.memory_space<semaphore_mem>> -> memref<1x!tpu.dma_semaphore, #tpu.memory_space<semaphore_mem>>
          %dma_start3A_150 = tpu.memref_squeeze %dma_start3A_149 : memref<1x!tpu.dma_semaphore, #tpu.memory_space<semaphore_mem>> -> memref<!tpu.dma_semaphore, #tpu.memory_space<semaphore_mem>>
          %dma_start3A_151 = arith.constant 0 : i32
          %dma_start3A_152 = tpu.memref_slice %arg3[%mul3A_145, %dma_start3A_151] : memref<100000x128xi32, #tpu.memory_space<hbm>> -> memref<80x128xi32, #tpu.memory_space<hbm>>
          tpu.enqueue_dma source(%dma_start3A_152 : memref<80x128xi32, #tpu.memory_space<hbm>>) target(%arg8 : memref<80x128xi32, #tpu.memory_space<vmem>>) target_semaphore(%dma_start3A_150 : memref<!tpu.dma_semaphore, #tpu.memory_space<semaphore_mem>>)
        } else {
        }
      } else {
      }
      %and3A_98 = arith.constant 1 : i32
      %and3A_99 = arith.andi %while3A_94, %and3A_98 : i32
      %eq3A_100 = arith.constant 1 : i32
      %eq3A_101 = arith.cmpi eq, %and3A_99, %eq3A_100 : i32
      %convert_element_type3A_102 = arith.extui %eq3A_101 : i1 to i32
      %cond3A_103 = arith.constant 0 : i32
      %cond3A_104 = arith.cmpi ne, %convert_element_type3A_102, %cond3A_103 : i32
      scf.if %cond3A_104 {
        %mul3A_105 = arith.constant 32 : i32
        %mul3A_106 = arith.muli %while3A_94, %mul3A_105 : i32
        %add3A_107 = arith.addi %mul3A_106, %add3A : i32
        %mul3A_108 = arith.constant 80 : i32
        %mul3A_109 = arith.muli %add3A_107, %mul3A_108 : i32
        %dma_wait3A_110 = arith.constant 1 : i32
        %dma_wait3A_111 = arith.constant 0 : i32
        %dma_wait3A_112 = tpu.memref_slice %arg3[%mul3A_109, %dma_wait3A_111] : memref<100000x128xi32, #tpu.memory_space<hbm>> -> memref<80x128xi32, #tpu.memory_space<hbm>>
        %dma_wait3A_113 = tpu.memref_slice %arg12[%dma_wait3A_110] : memref<2x!tpu.dma_semaphore, #tpu.memory_space<semaphore_mem>> -> memref<1x!tpu.dma_semaphore, #tpu.memory_space<semaphore_mem>>
        %dma_wait3A_114 = tpu.memref_squeeze %dma_wait3A_113 : memref<1x!tpu.dma_semaphore, #tpu.memory_space<semaphore_mem>> -> memref<!tpu.dma_semaphore, #tpu.memory_space<semaphore_mem>>
        %dma_wait3A_115 = arith.constant 0 : i32
        %dma_wait3A_116 = tpu.memref_slice %arg3[%mul3A_109, %dma_wait3A_115] : memref<100000x128xi32, #tpu.memory_space<hbm>> -> memref<80x128xi32, #tpu.memory_space<hbm>>
        tpu.wait_dma2 semaphore(%dma_wait3A_114 : memref<!tpu.dma_semaphore, #tpu.memory_space<semaphore_mem>>) src(%dma_wait3A_116 : memref<80x128xi32, #tpu.memory_space<hbm>>) dst(%arg9 : memref<80x128xi32, #tpu.memory_space<vmem>>)
        %ge3A = arith.constant 2 : i32
        %ge3A_117 = arith.cmpi sge, %while3A_94, %ge3A : i32
        %convert_element_type3A_118 = arith.extui %ge3A_117 : i1 to i32
        %cond3A_119 = arith.constant 0 : i32
        %cond3A_120 = arith.cmpi ne, %convert_element_type3A_118, %cond3A_119 : i32
        scf.if %cond3A_120 {
          %sub3A_139 = arith.constant 2 : i32
          %sub3A_140 = arith.subi %while3A_94, %sub3A_139 : i32
          %mul3A_141 = arith.constant 32 : i32
          %mul3A_142 = arith.muli %sub3A_140, %mul3A_141 : i32
          %add3A_143 = arith.addi %mul3A_142, %add3A : i32
          %mul3A_144 = arith.constant 5120 : i32
          %mul3A_145 = arith.muli %add3A_143, %mul3A_144 : i32
          %dma_wait3A_146 = arith.constant 1 : i32
          %dma_wait3A_147 = tpu.memref_slice %arg5[%mul3A_145] : memref<6400000xf32, #tpu.memory_space<hbm>> -> memref<5120xf32, #tpu.memory_space<hbm>>
          %dma_wait3A_148 = tpu.memref_slice %arg13[%dma_wait3A_146] : memref<2x!tpu.dma_semaphore, #tpu.memory_space<semaphore_mem>> -> memref<1x!tpu.dma_semaphore, #tpu.memory_space<semaphore_mem>>
          %dma_wait3A_149 = tpu.memref_squeeze %dma_wait3A_148 : memref<1x!tpu.dma_semaphore, #tpu.memory_space<semaphore_mem>> -> memref<!tpu.dma_semaphore, #tpu.memory_space<semaphore_mem>>
          %dma_wait3A_150 = tpu.memref_slice %arg5[%mul3A_145] : memref<6400000xf32, #tpu.memory_space<hbm>> -> memref<5120xf32, #tpu.memory_space<hbm>>
          tpu.wait_dma2 semaphore(%dma_wait3A_149 : memref<!tpu.dma_semaphore, #tpu.memory_space<semaphore_mem>>) src(%arg11 : memref<5120xf32, #tpu.memory_space<vmem>>) dst(%dma_wait3A_150 : memref<5120xf32, #tpu.memory_space<hbm>>)
        } else {
        }
        %parallel_loop3A = arith.constant 0 : i32
        %parallel_loop3A_121 = arith.constant 320 : i32
        %parallel_loop3A_122 = arith.constant 1 : i32
        scf.for %parallel_loop3A_139 = %parallel_loop3A to %parallel_loop3A_121 step %parallel_loop3A_122  : i32 {
          %parallel_loop3A_140 = arith.constant 3 : i32
          %parallel_loop3A_141 = arith.shrsi %parallel_loop3A_139, %parallel_loop3A_140 : i32
          %parallel_loop3A_142 = arith.constant 2 : i32
          %parallel_loop3A_143 = arith.muli %parallel_loop3A_141, %parallel_loop3A_142 : i32
          %parallel_loop3A_144 = arith.constant 7 : i32
          %parallel_loop3A_145 = arith.andi %parallel_loop3A_139, %parallel_loop3A_144 : i32
          %parallel_loop3A_146 = arith.constant 16 : i32
          %parallel_loop3A_147 = arith.muli %parallel_loop3A_145, %parallel_loop3A_146 : i32
          %parallel_loop3A_148 = arith.index_cast %parallel_loop3A_143 : i32 to index
          %parallel_loop3A_149 = arith.index_cast %parallel_loop3A_147 : i32 to index
          %parallel_loop3A_150 = tpu.vector_load %arg9[%parallel_loop3A_148, %parallel_loop3A_149] {strides = array<i32>} : memref<80x128xi32, #tpu.memory_space<vmem>>, vector<16xi32>,
          %parallel_loop3A_151 = arith.constant 1 : i32
          %parallel_loop3A_152 = arith.addi %parallel_loop3A_143, %parallel_loop3A_151 : i32
          %parallel_loop3A_153 = arith.index_cast %parallel_loop3A_152 : i32 to index
          %parallel_loop3A_154 = arith.index_cast %parallel_loop3A_147 : i32 to index
          %parallel_loop3A_155 = tpu.vector_load %arg9[%parallel_loop3A_153, %parallel_loop3A_154] {strides = array<i32>} : memref<80x128xi32, #tpu.memory_space<vmem>>, vector<16xi32>,
          %parallel_loop3A_156 = tpu.vector_load_idx %arg6[%parallel_loop3A_150] : memref<100000xi32, #tpu.memory_space<vmem>>[vector<16xi32>], vector<16xi32>,
          %parallel_loop3A_157 = tpu.vector_load_idx %arg6[%parallel_loop3A_155] : memref<100000xi32, #tpu.memory_space<vmem>>[vector<16xi32>], vector<16xi32>,
          %parallel_loop3A_158 = arith.constant 5 : i32
          %parallel_loop3A_159 = vector.broadcast %parallel_loop3A_158 : i32 to vector<16xi32>
          %parallel_loop3A_160 = arith.muli %parallel_loop3A_156, %parallel_loop3A_159 : vector<16xi32>
          %parallel_loop3A_161 = arith.constant 48 : i32
          %parallel_loop3A_162 = vector.broadcast %parallel_loop3A_161 : i32 to vector<16xi32>
          %parallel_loop3A_163 = arith.addi %parallel_loop3A_157, %parallel_loop3A_162 : vector<16xi32>
          %parallel_loop3A_164 = arith.addi %parallel_loop3A_160, %parallel_loop3A_163 : vector<16xi32>
          %parallel_loop3A_165 = tpu.vector_load_idx %arg7[%parallel_loop3A_164] : memref<96xf32, #tpu.memory_space<vmem>>[vector<16xi32>], vector<16xf32>,
          %parallel_loop3A_166 = arith.constant 16 : i32
          %parallel_loop3A_167 = arith.muli %parallel_loop3A_139, %parallel_loop3A_166 : i32
          %parallel_loop3A_168 = arith.index_cast %parallel_loop3A_167 : i32 to index
          %parallel_loop3A_169 = tpu.vector_load %arg11[%parallel_loop3A_168] {strides = array<i32>} : memref<5120xf32, #tpu.memory_space<vmem>>, vector<16xf32>,
          tpu.vector_store %arg11[%parallel_loop3A_168], %parallel_loop3A_165 {strides = array<i32>} : memref<5120xf32, #tpu.memory_space<vmem>>, vector<16xf32>,
        } {sc.loop_unroll_factor = 8 : i64, sc.parallel_access}
        %mul3A_123 = arith.constant 32 : i32
        %mul3A_124 = arith.muli %while3A_94, %mul3A_123 : i32
        %add3A_125 = arith.addi %mul3A_124, %add3A : i32
        %mul3A_126 = arith.constant 5120 : i32
        %mul3A_127 = arith.muli %add3A_125, %mul3A_126 : i32
        %dma_start3A_128 = arith.constant 1 : i32
        %dma_start3A_129 = tpu.memref_slice %arg5[%mul3A_127] : memref<6400000xf32, #tpu.memory_space<hbm>> -> memref<5120xf32, #tpu.memory_space<hbm>>
        %dma_start3A_130 = tpu.memref_slice %arg13[%dma_start3A_128] : memref<2x!tpu.dma_semaphore, #tpu.memory_space<semaphore_mem>> -> memref<1x!tpu.dma_semaphore, #tpu.memory_space<semaphore_mem>>
        %dma_start3A_131 = tpu.memref_squeeze %dma_start3A_130 : memref<1x!tpu.dma_semaphore, #tpu.memory_space<semaphore_mem>> -> memref<!tpu.dma_semaphore, #tpu.memory_space<semaphore_mem>>
        %dma_start3A_132 = tpu.memref_slice %arg5[%mul3A_127] : memref<6400000xf32, #tpu.memory_space<hbm>> -> memref<5120xf32, #tpu.memory_space<hbm>>
        tpu.enqueue_dma source(%arg11 : memref<5120xf32, #tpu.memory_space<vmem>>) target(%dma_start3A_132 : memref<5120xf32, #tpu.memory_space<hbm>>) target_semaphore(%dma_start3A_131 : memref<!tpu.dma_semaphore, #tpu.memory_space<semaphore_mem>>)
        %add3A_133 = arith.constant 2 : i32
        %add3A_134 = arith.addi %while3A_94, %add3A_133 : i32
        %lt3A_135 = arith.cmpi slt, %add3A_134, %add3A_4 : i32
        %convert_element_type3A_136 = arith.extui %lt3A_135 : i1 to i32
        %cond3A_137 = arith.constant 0 : i32
        %cond3A_138 = arith.cmpi ne, %convert_element_type3A_136, %cond3A_137 : i32
        scf.if %cond3A_138 {
          %add3A_139 = arith.constant 2 : i32
          %add3A_140 = arith.addi %while3A_94, %add3A_139 : i32
          %mul3A_141 = arith.constant 32 : i32
          %mul3A_142 = arith.muli %add3A_140, %mul3A_141 : i32
          %add3A_143 = arith.addi %mul3A_142, %add3A : i32
          %mul3A_144 = arith.constant 80 : i32
          %mul3A_145 = arith.muli %add3A_143, %mul3A_144 : i32
          %dma_start3A_146 = arith.constant 1 : i32
          %dma_start3A_147 = arith.constant 0 : i32
          %dma_start3A_148 = tpu.memref_slice %arg3[%mul3A_145, %dma_start3A_147] : memref<100000x128xi32, #tpu.memory_space<hbm>> -> memref<80x128xi32, #tpu.memory_space<hbm>>
          %dma_start3A_149 = tpu.memref_slice %arg12[%dma_start3A_146] : memref<2x!tpu.dma_semaphore, #tpu.memory_space<semaphore_mem>> -> memref<1x!tpu.dma_semaphore, #tpu.memory_space<semaphore_mem>>
          %dma_start3A_150 = tpu.memref_squeeze %dma_start3A_149 : memref<1x!tpu.dma_semaphore, #tpu.memory_space<semaphore_mem>> -> memref<!tpu.dma_semaphore, #tpu.memory_space<semaphore_mem>>
          %dma_start3A_151 = arith.constant 0 : i32
          %dma_start3A_152 = tpu.memref_slice %arg3[%mul3A_145, %dma_start3A_151] : memref<100000x128xi32, #tpu.memory_space<hbm>> -> memref<80x128xi32, #tpu.memory_space<hbm>>
          tpu.enqueue_dma source(%dma_start3A_152 : memref<80x128xi32, #tpu.memory_space<hbm>>) target(%arg9 : memref<80x128xi32, #tpu.memory_space<vmem>>) target_semaphore(%dma_start3A_150 : memref<!tpu.dma_semaphore, #tpu.memory_space<semaphore_mem>>)
        } else {
        }
      } else {
      }
    }
    %add3A_77 = arith.constant 0 : i32
    %add3A_78 = arith.addi %add3A_77, %add3A : i32
    %mul3A_79 = arith.constant 5120 : i32
    %mul3A_80 = arith.muli %add3A_78, %mul3A_79 : i32
    %dma_wait3A = arith.constant 0 : i32
    %dma_wait3A_81 = tpu.memref_slice %arg5[%mul3A_80] : memref<6400000xf32, #tpu.memory_space<hbm>> -> memref<5120xf32, #tpu.memory_space<hbm>>
    %dma_wait3A_82 = tpu.memref_slice %arg13[%dma_wait3A] : memref<2x!tpu.dma_semaphore, #tpu.memory_space<semaphore_mem>> -> memref<1x!tpu.dma_semaphore, #tpu.memory_space<semaphore_mem>>
    %dma_wait3A_83 = tpu.memref_squeeze %dma_wait3A_82 : memref<1x!tpu.dma_semaphore, #tpu.memory_space<semaphore_mem>> -> memref<!tpu.dma_semaphore, #tpu.memory_space<semaphore_mem>>
    %dma_wait3A_84 = tpu.memref_slice %arg5[%mul3A_80] : memref<6400000xf32, #tpu.memory_space<hbm>> -> memref<5120xf32, #tpu.memory_space<hbm>>
    tpu.wait_dma2 semaphore(%dma_wait3A_83 : memref<!tpu.dma_semaphore, #tpu.memory_space<semaphore_mem>>) src(%arg10 : memref<5120xf32, #tpu.memory_space<vmem>>) dst(%dma_wait3A_84 : memref<5120xf32, #tpu.memory_space<hbm>>)
    %add3A_85 = arith.constant 32 : i32
    %add3A_86 = arith.addi %add3A_85, %add3A : i32
    %mul3A_87 = arith.constant 5120 : i32
    %mul3A_88 = arith.muli %add3A_86, %mul3A_87 : i32
    %dma_wait3A_89 = arith.constant 1 : i32
    %dma_wait3A_90 = tpu.memref_slice %arg5[%mul3A_88] : memref<6400000xf32, #tpu.memory_space<hbm>> -> memref<5120xf32, #tpu.memory_space<hbm>>
    %dma_wait3A_91 = tpu.memref_slice %arg13[%dma_wait3A_89] : memref<2x!tpu.dma_semaphore, #tpu.memory_space<semaphore_mem>> -> memref<1x!tpu.dma_semaphore, #tpu.memory_space<semaphore_mem>>
    %dma_wait3A_92 = tpu.memref_squeeze %dma_wait3A_91 : memref<1x!tpu.dma_semaphore, #tpu.memory_space<semaphore_mem>> -> memref<!tpu.dma_semaphore, #tpu.memory_space<semaphore_mem>>
    %dma_wait3A_93 = tpu.memref_slice %arg5[%mul3A_88] : memref<6400000xf32, #tpu.memory_space<hbm>> -> memref<5120xf32, #tpu.memory_space<hbm>>
    tpu.wait_dma2 semaphore(%dma_wait3A_92 : memref<!tpu.dma_semaphore, #tpu.memory_space<semaphore_mem>>) src(%arg11 : memref<5120xf32, #tpu.memory_space<vmem>>) dst(%dma_wait3A_93 : memref<5120xf32, #tpu.memory_space<hbm>>)
    return
  }
}

</mosaic_0001>

<sc_bundles>
// kernel: kernel.3.cloned.1.call-start
scs
__scs_entry_jumppad:
0x0: {  	(pc) =	sbr.rel $0x88, $3  }
0x1: {  	(tag) =	ssettag $0x0;
	lr =	simm.s32 $0x1  }
0x2: {  	[smem:$0x3F9D] =	sst lr;
	_ =	strace $0xD0000000  }
0x3: {  	_ = 	snop  }
0x4: {  	_ = 	snop  }
0x5: {  	_ = 	snop  }
0x6: {  	_ = 	snop  }
0x7: {  	_ = 	snop  }
__scs_overlays_trampoline_lowered:
0x8: {  	[smem:$0x3FAC] =	sst s0  }
0x9: {  	[smem:$0x3FAD] =	sst s1  }
0xa: {  	[smem:$0x3FAE] =	sst s2  }
0xb: {  	[smem:$0x3FAF] =	sst s3  }
0xc: {  	[smem:$0x3FB0] =	sst s4  }
0xd: {  	[smem:$0x3FB1] =	sst s5  }
0xe: {  	[smem:$0x3FB2] =	sst s6  }
0xf: {  	[smem:$0x3FB3] =	sst s7  }
0x10: {  	[smem:$0x3FB4] =	sst s8  }
0x11: {  	[smem:$0x3FB5] =	sst s9;
	s0 =	simm.s32 @!p0 $0x0  }
0x12: {  	s1 =	sld [smem:$0x3F9B];
	s0 =	simm.s32 @p0 $0x1  }
0x13: {  	[smem:$0x3FB6] =	sst s0;
	s0 =	simm.s32 @!p1 $0x0  }
0x14: {  	s2 =	sld [smem:$0x3F9A];
	s0 =	simm.s32 @p1 $0x1  }
0x15: {  	[smem:$0x3FB7] =	sst s0;
	s0 =	simm.s32 @!p2 $0x0  }
0x16: {  	s3 =	sld [smem:$0x3FDB];
	s0 =	simm.s32 @p2 $0x1  }
0x17: {  	s4 =	simm.s32 $0x1BF5;
	[smem:$0x3FB9] =	sst s0  }
0x18: {  	s0 =	sld [smem:$0x3F9C];
	_ =	swait.ge [sflag:s4], $0x0  }
0x19: {  	s7 =	sld [smem:$0x3F9D]  }
0x1a: {  	s8 =	sadd.s32 $0xFFFFE003, lr  }
0x1b: {  	s9 =	sadd.s32 $0xFFFFFEF7, lr;
	s5 =	simm.s32 $0xFFFFFFFF;
	p2 =	slt.u32 s8, $0xFFFFF086  }
0x1c: {  	p1 =	slt.u32 s9, $0xF7A;
	s5 =	simm.s32 @!p2 $0x0  }
0x1d: {  	s5 =	simm.s32 @p1 $0x1;
	p0 =	seq.s32 s7, s2  }
0x1e: {  	s7 =	smul.u32 @!p0 $0xF7A, s2;
	p2 =	seq.s32 @!p0 s5, $0x0  }
0x1f: {  	s9 =	smul.u32 $0xF7A, s1;
	s8 =	simm.s32 @!p0 $0x1BF5;
	p2 =	por !p2, p0  }
0x20: {  	[sflag:s8] =	ssyncset.s32 @!p0 $0xFFFFF086;
	s6 =	sadd.s32 @!p0 s3, s7;
	s7 =	simm.s32 @!p0 $0x108  }
0x21: {  	s3 =	sadd.s32 s3, s9;
	s6 =	sadd.s32 @!p0 $0x88, s6;
	s7 =	simm.s32 @p2 $0x1082  }
0x22: {  	[simem:s7], [sflag:s8] =	dma.local @!p0 [hbm:s6], $0xF7A  }
0x23: {  	s9 =	sor.u32 $0xD0000000, s2;
	s6 =	simm.s32 $0x108;
	_ =	swait.ge @!p0 [sflag:s8], $0x0  }
0x24: {  	s3 =	sadd.s32 $0x88, s3;
	s6 =	simm.s32 @!p1 $0x1082;
	[sflag:s4] =	ssyncset.s32 $0xFFFFF086  }
0x25: {  	[simem:s6], [sflag:s4] =	dma.local [hbm:s3], $0xF7A  }
0x26: {  	[smem:$0x3F9D] =	sst s1;
	(tag) =	ssettag s2;
	_ =	strace s9  }
0x27: {  	s1 =	sld [smem:$0x3FAD]  }
0x28: {  	s2 =	sld [smem:$0x3FAE]  }
0x29: {  	s4 =	sld [smem:$0x3FB0]  }
0x2a: {  	p0 =	seq.s32 s5, $0x0;
	s5 =	sld [smem:$0x3FB1]  }
0x2b: {  	s6 =	sld [smem:$0x3FB2]  }
0x2c: {  	s7 =	sld [smem:$0x3FB3]  }
0x2d: {  	s3 =	simm.s32 $0x108;
	s8 =	sld [smem:$0x3FB4]  }
0x2e: {  	s3 =	simm.s32 @!p0 $0x1082;
	s9 =	sld [smem:$0x3FB5]  }
0x2f: {  	lr =	sadd.s32 s0, s3;
	s0 =	sld [smem:$0x3FAC]  }
0x30: {  	s3 =	sld [smem:$0x3FAF]  }
0x31: {  	[smem:$0x3FB8] =	sst s10  }
0x32: {  	s10 =	sld [smem:$0x3FB6];
	_ =	sdelay $0x3  }
0x33: {  	p0 =	seq.s32 s10, $0x1;
	s10 =	sld [smem:$0x3FB8];
	_ =	sdelay $0x3  }
0x34: {  	[smem:$0x3FB8] =	sst s10  }
0x35: {  	s10 =	sld [smem:$0x3FB7];
	_ =	sdelay $0x3  }
0x36: {  	p1 =	seq.s32 s10, $0x1;
	s10 =	sld [smem:$0x3FB8];
	_ =	sdelay $0x3  }
0x37: {  	[smem:$0x3FB8] =	sst s10  }
0x38: {  	s10 =	sld [smem:$0x3FB9]  }
0x39: {  	_ = 	snop;
	(pc) =	sbr.ind lr, $3  }
0x3a: {  	_ = 	snop  }
0x3b: {  	_ = 	snop  }
0x3c: {  	p2 =	seq.s32 s10, $0x1;
	s10 =	sld [smem:$0x3FB8]  }
0x3d: {  	_ =	shalt  }
0x3e: {  	_ =	shalt  }
0x3f: {  	_ =	shalt  }
0x40: {  	_ =	shalt  }
0x41: {  	_ =	shalt  }
0x42: {  	_ =	shalt  }
0x43: {  	_ =	shalt  }
0x44: {  	_ =	shalt  }
0x45: {  	_ =	shalt  }
0x46: {  	_ =	shalt  }
0x47: {  	_ =	shalt  }
0x48: {  	_ =	shalt  }
0x49: {  	_ =	shalt  }
0x4a: {  	_ =	shalt  }
0x4b: {  	_ =	shalt  }
0x4c: {  	_ =	shalt  }
0x4d: {  	_ =	shalt  }
0x4e: {  	_ =	shalt  }
0x4f: {  	_ =	shalt  }
0x50: {  	_ =	shalt  }
0x51: {  	_ =	shalt  }
0x52: {  	_ =	shalt  }
0x53: {  	_ =	shalt  }
0x54: {  	_ =	shalt  }
0x55: {  	_ =	shalt  }
0x56: {  	_ =	shalt  }
0x57: {  	_ =	shalt  }
0x58: {  	_ =	shalt  }
0x59: {  	_ =	shalt  }
0x5a: {  	_ =	shalt  }
0x5b: {  	_ =	shalt  }
0x5c: {  	_ =	shalt  }
0x5d: {  	_ =	shalt  }
0x5e: {  	_ =	shalt  }
0x5f: {  	_ =	shalt  }
0x60: {  	_ =	shalt  }
0x61: {  	_ =	shalt  }
0x62: {  	_ =	shalt  }
0x63: {  	_ =	shalt  }
0x64: {  	_ =	shalt  }
0x65: {  	_ =	shalt  }
0x66: {  	_ =	shalt  }
0x67: {  	_ =	shalt  }
0x68: {  	_ =	shalt  }
0x69: {  	_ =	shalt  }
0x6a: {  	_ =	shalt  }
0x6b: {  	_ =	shalt  }
0x6c: {  	_ =	shalt  }
0x6d: {  	_ =	shalt  }
0x6e: {  	_ =	shalt  }
0x6f: {  	_ =	shalt  }
0x70: {  	_ =	shalt  }
0x71: {  	_ =	shalt  }
0x72: {  	_ =	shalt  }
0x73: {  	_ =	shalt  }
0x74: {  	_ =	shalt  }
0x75: {  	_ =	shalt  }
0x76: {  	_ =	shalt  }
0x77: {  	_ =	shalt  }
0x78: {  	_ =	shalt  }
0x79: {  	_ =	shalt  }
0x7a: {  	_ =	shalt  }
0x7b: {  	_ =	shalt  }
0x7c: {  	_ =	shalt  }
0x7d: {  	_ =	shalt  }
0x7e: {  	_ =	shalt  }
0x7f: {  	_ =	shalt  }
0x80: {  	_ =	shalt  }
0x81: {  	_ =	shalt  }
0x82: {  	_ =	shalt  }
0x83: {  	_ =	shalt  }
0x84: {  	_ =	shalt  }
0x85: {  	_ =	shalt  }
0x86: {  	_ =	shalt  }
0x87: {  	_ =	shalt  }
.Lfunc_end0:
.L_simem_size_0:
called_computation_lowered:
.L_overlay_start_0:
0x88: {  	s2 =	sld [smem:$0x3FD9]  }
0x89: {  	s3 =	sld [smem:$0x3FFE];
	_ =	sdelay $0x1  }
0x8a: {  	s1 =	srdreg.scid  }
0x8b: {  	s0 =	sand.u32 $0x1, s1  }
0x8c: {  	s17 =	sshll.u32 s0, $0xA;
	s2 =	sadd.s32 s3, s2  }
0x8d: {  	s2 =	sadd.s32 s2, s17  }
0x8e: {  	[smem:$0x3FC4] =	sst s2  }
0x8f: {  	_ = 	snop  }
0x90: {  	s2 =	sld [smem:$0x3FC9]  }
0x91: {  	s18 =	sld [smem:$0x3FC8]  }
0x92: {  	s4 =	sld [smem:$0x3FD0];
	(tm) =	ssettm $0x1  }
0x93: {  	s5 =	sld [smem:$0x3FFB];
	_ =	sdelay $0x3  }
0x94: {  	_ =	strace s5  }
0x95: {  	s5 =	sld [smem:$0x3FFC];
	_ =	sdelay $0x3  }
0x96: {  	_ =	strace s5  }
0x97: {  	s5 =	sld [smem:$0x3FFD];
	_ =	sdelay $0x3  }
0x98: {  	_ =	strace s5  }
0x99: {  	_ =	strace $0x8FFFFFFF  }
0x9a: {  	s19 =	sld [smem:$0x3FDB];
	_ =	sdelay $0x1  }
0x9b: {  	s6 =	simm.s32 $_scs_section_size  }
0x9c: {  	s7 =	simm.s32 $_size__tile_overlayer_lowered;
	s8 =	simm.s32 $_tile_overlayer_lowered  }
0x9d: {  	s22 =	simm.s32 $0x1BFF;
	s21 =	sshll.u32 s8, $0x1;
	s5 =	sadd.s32 s6, s19  }
0x9e: {  	s9 =	simm.s32 $0x0;
	s20 =	sshll.u32 s7, $0x1;
	s7 =	sadd.s32 s21, s5  }
0x9f: {  	[timem:s9], [sflag:s22] =	dma.local [hbm:s7], s20  }
0xa0: {  	_ =	swait.ge [sflag:s22], s20  }
0xa1: {  	s6 =	ssub.s32 $0x0, s20;
	[sflag:s22] =	ssyncset.done $0x0  }
0xa2: {  	[sflag:s22] =	ssyncadd.s32 s6;
	_ =	sdelay $0x1  }
0xa3: {  	s23 =	simm.s32 $0x1B8B  }
0xa4: {  	_ =	swait.ge [sflag:s23], $0x1  }
0xa5: {  	[sflag:s23] =	ssyncset.done $0x0  }
0xa6: {  	s25 =	simm.s32 $0x1B8E;
	s24 =	sld [smem:$0x3FFE];
	[sflag:s23] =	ssyncadd.s32 $0xFFFFFFFF  }
0xa7: {  	s26 =	simm.s32 $execute0_lowered;
	[smem:$0x3FD2] =	sst s25  }
0xa8: {  	s7 =	sshll.u32 s26, $0x1;
	_ =	strace $0x80000046;
	[dreg:$0x1] =	wrdreg $0xFFFFFFFF  }
0xa9: {  	s28 =	simm.s32 $_size_execute0_lowered;
	s5 =	sadd.s32 s5, s7;
	[dreg:$0x0] =	wrdreg $0x0  }
0xaa: {  	s7 =	sshll.u32 s28, $0x1;
	[dreg:$0x2] =	wrdreg s5  }
0xab: {  	[dreg:$0x3] =	wrdreg s7  }
0xac: {  	[dreg:$0x4] =	wrdreg $0xC0  }
0xad: {  	_ =	task [dreg:s9], $0x5FFFF  }
0xae: {  	[dreg:$0x1] =	wrdreg $0xFFFFFFFF  }
0xaf: {  	[dreg:$0x0] =	wrdreg $0x60  }
0xb0: {  	[dreg:$0x2] =	wrdreg s2  }
0xb1: {  	[dreg:$0x3] =	wrdreg s18  }
0xb2: {  	[dreg:$0x4] =	wrdreg s24  }
0xb3: {  	[dreg:$0x5] =	wrdreg s4  }
0xb4: {  	[dreg:$0x6] =	wrdreg $0x9  }
0xb5: {  	_ =	task.clear_ibuf [dreg:s9], $0x7FFFF;
	_ =	strace $0x90000046  }
0xb6: {  	s29 =	simm.s32 $0x9;
	_ =	strace $0x80000048  }
0xb7: {  	_ =	swait.ge [sflag:s29], $0x1  }
0xb8: {  	[sflag:s29] =	ssyncadd.s32 $0xFFFFFFFF  }
0xb9: {  	_ =	strace $0x90000048  }
0xba: {  	_ =	sfence  }
0xbb: {  	s30 =	sld [smem:$0x0];
	_ =	sdelay $0x2  }
0xbc: {  	s31 =	sshll.u32 s1, $0xD;
	s1 =	sshrl.u32 s1, $0x2  }
0xbd: {  	s3 =	sand.u32 $0x4000, s31;
	s1 =	sadd.s32 s1, s30  }
0xbe: {  	s0 =	sor.u32 s3, s0;
	s1 =	sshll.u32 s1, $0x11  }
0xbf: {  	s0 =	sor.u32 s1, s0  }
0xc0: {  	s0 =	sadd.s32 $0x8F2B, s0  }
0xc1: {  	[sflag:s0] =	ssyncadd.remote.s32 $0x1  }
0xc2: {  	_ =	sfence.sel $0xFFFF  }
0xc3: {  	[dreg:$0x0] =	wrdreg $0xFFFFFFFF;
	(pc) =	sbr.abs _section_cstart, $3  }
0xc4: {  	[dreg:$0x1] =	wrdreg $0xFFFFFFFF  }
0xc5: {  	_ =	task.clear_ibuf [dreg:s9], $0x2FFFF;
	_ =	strace $0x9FFFFFFF  }
0xc6: {  	(tm) =	ssettm $0x7FFFFFFF  }
0xc7: {  	_ =	shalt  }
tec
execute0_lowered:
.L_overlay_start_1:
0x0: {  	(tag) =	ssettag $0x1  }
0x1: {  	s0 =	rddreg [dreg:$0x0]  }
0x2: {  	s1 =	rddreg [dreg:$0x1]  }
0x3: {  	s7 =	rddreg [dreg:$0x2];
	s3 =	srdreg.scid  }
0x4: {  	s2 =	stileid.u32;
	v1 =	vimm.s32 $0x21043213;
	s4 =	rddreg [dreg:$0x3]  }
0x5: {  	v2 =	vimm.s32 $0x4321040;
	s5 =	simm.s32 $0x0;
	s13 =	simm.s32 $0x1AF80;
	s14 =	simm.s32 $0x5;
	v1 =	vunpack.c.l.s4.s8 v1  }
0x6: {  	v0 =	vimm.s32 $0xEAA55400;
	vm0 =	vcmask $0x2304;
	s15 =	simm.s32 $0x18700;
	s16 =	simm.s32 $0x2;
	s17 =	simm.s32 $0x1EB80;
	v2 =	vunpack.c.l.s4.s8 v2  }
0x7: {  	vm1 =	vcmask $0x3F24;
	s18 =	simm.s32 $0x3;
	s19 =	simm.s32 $0x4;
	s20 =	simm.s32 $0x1;
	v0 =	vunpack.c.l.s2.s4 v0;
	v1 =	vunpack.c.0.s8.s32 v1  }
0x8: {  	v3 =	vimm.s32 $0x32104324;
	v4 =	vimm.s32 $0x6;
	s21 =	simm.s32 $0x1D780;
	s8 =	sand.u32 $0x1, s3;
	s6 =	sshll.u32 s2, $0x1;
	v2 =	vunpack.c.0.s8.s32 v2  }
0x9: {  	vm2 =	vcmask $0xF00;
	s22 =	simm.s32 $0x0;
	s3 =	rddreg [dreg:$0x4];
	s6 =	sor.u32 s8, s6;
	v0 =	vunpack.c.l.s4.s8 v0;
	v1 =	vnsel vm0, $0x0, v1  }
0xa: {  	[smem:$0x7FF] =	sst s5;
	s7 =	sadd.s32 $0x400, s7;
	s9 =	smul.u32 $0x2800, s6;
	v1 =	vsel vm1, v2, v1;
	v2 =	vunpack.c.l.s4.s8 v3;
	v3 =	vimm.s32 $0x10432100  }
.Ltmp0:
0xb: {  	vm14 =	vcmask $0x2310;
	vm15 =	vcmask $0x3724;
	p0 =	seq.s32 s2, $0x0;
	s8 =	ssub.s32 $0x2, s8;
	v3 =	vunpack.c.l.s4.s8 v3;
	(pc) =	sbr.rel .LBB2_1-.Ltmp0, $4  }
0xc: {  	v4 =	vsel vm2, $0x3, v4;
	_ =	strace $0x80000047;
	s10 =	sshrl.u32 s8, $0x1;
	s31 =	smul.u32 $0x500, s6;
	v0 =	vunpack.c.0.s8.s32 v0;
	v5 =	vunpack.c.0.s8.s32 v2  }
0xd: {  	v6 =	vlaneseq.u32;
	s11 =	ssub.s32 s8, s10;
	s8 =	simm.s32 $0x28;
	s9 =	sshrl.u32 s9, $0x3;
	v2 =	vsel vm14, $0x4, v4;
	v4 =	vunpack.c.0.s8.s32 v3  }
0xe: {  	s8 =	simm.s32 @!p0 $0x27;
	s11 =	smax.u32 s11, $0x1;
	s12 =	sadd.s32 s1, s9;
	v0 =	vand.u32 $0x3, v0;
	v2 =	vsel vm15, $0x5, v2;
	v5 =	vnsel vm0, $0x1, v5  }
0xf: {  	s9 =	sadd.s32 s1, s31;
	s10 =	sadd.s32 $0xA000, s12;
	s12 =	simm.s32 $0x18780;
	v3 =	vadd.s32 $0x5, v6;
	v4 =	vsel vm1, v4, v5;
	v5 =	vadd.s32 $0x15, v6  }
.LBB2_10:
0x10: {  	s22 =	sadd.s32 $0x1, s22  }
0x11: {  	_ =	swait.ge [sflag:s18], $0x1400;
	p0 =	sne.s32 s22, s11  }
.Ltmp1:
0x12: {  	[sflag:s18] =	ssyncset.done $0x0;
	(pc) =	sbr.rel @!p0 .LBB2_11-.Ltmp1, $4  }
0x13: {  	[sflag:s18] =	ssyncadd.s32 $0xFFFFEC00  }
0x14: {  	_ =	swait.ge [sflag:s19], $0x1400  }
0x15: {  	[sflag:s19] =	ssyncset.done $0x0  }
0x16: {  	[sflag:s19] =	ssyncadd.s32 $0xFFFFEC00  }
.LBB2_1:
0x17: {  	[tilespmem:s12], [sflag:$0x1] =	stream.linear.gather [hbm4b:s9+s5], $0x2800, $0x38;
	[tilespmem:$0x1FF80] =	vst v63  }
0x18: {  	_ = 	snop  }
0x19: {  	[tilespmem:s13], [sflag:$0x2] =	stream.linear.gather [hbm4b:s10+s5], $0x2800, $0x38;
	[tilespmem:$0x1FF80] =	vst v63  }
0x1a: {  	_ = 	snop  }
0x1b: {  	[tilespmem:s5], [sflag:$0x5] =	stream.linear.gather [hbm4b:s0+s5], $0x18700, $0x38;
	[tilespmem:$0x1FF80] =	vst v63  }
0x1c: {  	_ =	swait.ge [sflag:s14], $0x18700  }
0x1d: {  	[sflag:s14] =	ssyncset.done $0x0  }
0x1e: {  	[sflag:s14] =	ssyncadd.s32 $0xFFFE7900  }
0x1f: {  	[tilespmem:s15], [sflag:$0x5] =	stream.linear.gather [hbm4b:s7+s5], $0x30, $0x38;
	[tilespmem:$0x1FF80] =	vst v63  }
0x20: {  	_ =	swait.ge [sflag:s14], $0x30  }
0x21: {  	[sflag:s14] =	ssyncset.done $0x0  }
0x22: {  	[sflag:s14] =	ssyncadd.s32 $0xFFFFFFD0  }
0x23: {  	v6 =	vld.idx.msk [tilespmem:v0+s15+$0x0], $0xffff  }
0x24: {  	v7 =	vld.idx.msk [tilespmem:v1+s15+$0x0], $0xffff;
	_ =	sdelay $0x1  }
0x25: {  	v8 =	vld.idx.msk [tilespmem:v3+s15+$0x0], $0xffff;
	_ =	sdelay $0x2  }
0x26: {  	v6 =	vadd.f32 v7, v6;
	_ =	sdelay $0x1  }
0x27: {  	v6 =	vadd.f32 v8, v6;
	_ =	sdelay $0x1  }
0x28: {  	[tilespmem:$0x18730] =	vst v6  }
0x29: {  	v6 =	vld.idx.msk [tilespmem:v2+s15+$0x0], $0xffff  }
0x2a: {  	v7 =	vld.idx.msk [tilespmem:v4+s15+$0x0], $0xffff;
	_ =	sdelay $0x1  }
0x2b: {  	v63 =	vld.idx.msk [tilespmem:v5+s15+$0x0], $0xffff;
	_ =	sdelay $0x2  }
.Ltmp2:
0x2c: {  	v6 =	vadd.f32 v7, v6;
	(pc) =	sbr.rel .LBB2_2-.Ltmp2, $3  }
0x2d: {  	_ = 	snop  }
0x2e: {  	v6 =	vadd.f32 v63, v6;
	_ =	sdelay $0x1  }
0x2f: {  	s23 =	simm.s32 $0x0;
	[tilespmem:$0x18740] =	vst v6  }
.LBB2_9:
0x30: {  	s23 =	sadd.s32 $0x1, s23  }
0x31: {  	p0 =	sne.s32 s23, s8  }
.Ltmp3:
0x32: {  	_ = 	snop;
	(pc) =	sbr.rel @!p0 .LBB2_10-.Ltmp3, $1  }
0x33: {  	_ =	sdelay $0x3  }
.LBB2_2:
0x34: {  	s25 =	sand.u32 $0x1, s23  }
0x35: {  	p0 =	seq.s32 s25, $0x1  }
.Ltmp4:
0x36: {  	_ = 	snop;
	(pc) =	sbr.rel @p0 .LBB2_6-.Ltmp4, $3  }
0x37: {  	_ =	sdelay $0x1  }
0x38: {  	s24 =	sshll.u32 s23, $0x5  }
0x39: {  	s24 =	sor.u32 s6, s24  }
0x3a: {  	_ =	swait.ge [sflag:s20], $0x2800  }
0x3b: {  	p0 =	slt.u32 s23, $0x2;
	[sflag:s20] =	ssyncset.done $0x0  }
0x3c: {  	s26 =	simm.s32 @!p0 $0x3;
	[sflag:s20] =	ssyncadd.s32 $0xFFFFD800  }
0x3d: {  	_ =	swait.ge @!p0 [sflag:s26], $0x1400  }
0x3e: {  	[sflag:s26] =	ssyncset.done @!p0 $0x0  }
0x3f: {  	s31 =	simm.s32 $0x18800;
	[sflag:s26] =	ssyncadd.s32 @!p0 $0xFFFFEC00  }
0x40: {  	v6 =	vld [tilespmem:s31+$0xFFFFFFF0]  }
0x41: {  	v7 =	vld [tilespmem:s31+$0xFFFFFF90]  }
0x42: {  	v8 =	vld [tilespmem:s31+$0x70]  }
0x43: {  	v9 =	vld [tilespmem:s31+$0xFFFFFFA0]  }
0x44: {  	v10 =	vld [tilespmem:s31+$0xFFFFFFB0]  }
0x45: {  	v11 =	vld [tilespmem:s31+$0xFFFFFFC0]  }
0x46: {  	v12 =	vld [tilespmem:s31+$0xFFFFFFD0]  }
0x47: {  	v13 =	vld [tilespmem:s31+$0xFFFFFFE0]  }
0x48: {  	v14 =	vld [tilespmem:s31+$0xFFFFFF80]  }
0x49: {  	v15 =	vld [tilespmem:s31+$0x0]  }
0x4a: {  	v16 =	vld [tilespmem:s31+$0x10]  }
0x4b: {  	v17 =	vld [tilespmem:s31+$0x20]  }
0x4c: {  	v18 =	vld [tilespmem:s31+$0x30]  }
0x4d: {  	v19 =	vld [tilespmem:s31+$0x40]  }
0x4e: {  	v20 =	vld [tilespmem:s31+$0x50]  }
0x4f: {  	v21 =	vld [tilespmem:s31+$0x60];
	s31 =	simm.s32 $0x18900  }
0x50: {  	v56 =	vld [tilespmem:s31+$0xFFFFFF90]  }
0x51: {  	v57 =	vld [tilespmem:s31+$0x70]  }
0x52: {  	v22 =	vld [tilespmem:s31+$0xFFFFFFA0]  }
0x53: {  	v23 =	vld [tilespmem:s31+$0xFFFFFFB0]  }
0x54: {  	v24 =	vld [tilespmem:s31+$0xFFFFFFC0]  }
0x55: {  	v25 =	vld [tilespmem:s31+$0xFFFFFFD0]  }
0x56: {  	v26 =	vld [tilespmem:s31+$0xFFFFFFE0]  }
0x57: {  	v27 =	vld [tilespmem:s31+$0xFFFFFF80]  }
0x58: {  	v28 =	vld [tilespmem:s31+$0x0]  }
0x59: {  	v29 =	vld [tilespmem:s31+$0x10]  }
0x5a: {  	v30 =	vld [tilespmem:s31+$0x20]  }
0x5b: {  	v31 =	vld [tilespmem:s31+$0x30]  }
0x5c: {  	v32 =	vld [tilespmem:s31+$0x40]  }
0x5d: {  	v33 =	vld [tilespmem:s31+$0x50]  }
0x5e: {  	v58 =	vld [tilespmem:s31+$0x60]  }
0x5f: {  	v6 =	vld.idx.msk [tilespmem:v6+s5+$0x0], $0xffff  }
0x60: {  	v8 =	vld.idx.msk [tilespmem:v8+s5+$0x0], $0xffff  }
0x61: {  	v7 =	vld.idx.msk [tilespmem:v7+s5+$0x0], $0xffff  }
0x62: {  	v9 =	vld.idx.msk [tilespmem:v9+s5+$0x0], $0xffff  }
0x63: {  	v10 =	vld.idx.msk [tilespmem:v10+s5+$0x0], $0xffff  }
0x64: {  	v11 =	vld.idx.msk [tilespmem:v11+s5+$0x0], $0xffff  }
0x65: {  	v12 =	vld.idx.msk [tilespmem:v12+s5+$0x0], $0xffff  }
0x66: {  	v13 =	vld.idx.msk [tilespmem:v13+s5+$0x0], $0xffff  }
0x67: {  	v27 =	vld.idx.msk [tilespmem:v27+s5+$0x0], $0xffff  }
0x68: {  	v22 =	vld.idx.msk [tilespmem:v22+s5+$0x0], $0xffff  }
0x69: {  	v23 =	vld.idx.msk [tilespmem:v23+s5+$0x0], $0xffff  }
0x6a: {  	v24 =	vld.idx.msk [tilespmem:v24+s5+$0x0], $0xffff;
	v6 =	vmul.u32 $0x5, v6  }
0x6b: {  	v25 =	vld.idx.msk [tilespmem:v25+s5+$0x0], $0xffff  }
0x6c: {  	v6 =	vadd.s32 v6, v8;
	v8 =	vld.idx.msk [tilespmem:v14+s5+$0x0], $0xffff  }
0x6d: {  	v14 =	vld.idx.msk [tilespmem:v15+s5+$0x0], $0xffff  }
0x6e: {  	v15 =	vld.idx.msk [tilespmem:v16+s5+$0x0], $0xffff  }
0x6f: {  	v16 =	vld.idx.msk [tilespmem:v19+s5+$0x0], $0xffff  }
0x70: {  	v19 =	vld [tilespmem:s31+$0xFFFFFFF0]  }
0x71: {  	v26 =	vld.idx.msk [tilespmem:v26+s5+$0x0], $0xffff  }
0x72: {  	v28 =	vld.idx.msk [tilespmem:v28+s5+$0x0], $0xffff  }
0x73: {  	v59 =	vld.idx.msk [tilespmem:v32+s5+$0x0], $0xffff;
	v7 =	vmul.u32 $0x5, v7  }
0x74: {  	v60 =	vld.idx.msk [tilespmem:v33+s5+$0x0], $0xffff  }
0x75: {  	v7 =	vadd.s32 v7, v15;
	v15 =	vld.idx.msk [tilespmem:v18+s5+$0x0], $0xffff  }
0x76: {  	v6 =	vadd.s32 $0x30, v6;
	v18 =	vld.idx.msk [tilespmem:v21+s5+$0x0], $0xffff  }
0x77: {  	v8 =	vmul.u32 $0x5, v8;
	v21 =	vld.idx.msk [tilespmem:v57+s5+$0x0], $0xffff  }
0x78: {  	v11 =	vmul.u32 $0x5, v11;
	v19 =	vld.idx.msk [tilespmem:v19+s5+$0x0], $0xffff  }
0x79: {  	v8 =	vadd.s32 v8, v14;
	v14 =	vld.idx.msk [tilespmem:v17+s5+$0x0], $0xffff  }
0x7a: {  	v11 =	vadd.s32 v11, v16;
	v16 =	vld.idx.msk [tilespmem:v31+s5+$0x0], $0xffff  }
0x7b: {  	v13 =	vmul.u32 $0x5, v13;
	v6 =	vld.idx.msk [tilespmem:v6+s15+$0x0], $0xffff;
	v7 =	vadd.s32 $0x30, v7  }
0x7c: {  	v9 =	vmul.u32 $0x5, v9;
	v10 =	vmul.u32 $0x5, v10;
	v17 =	vld.idx.msk [tilespmem:v20+s5+$0x0], $0xffff;
	v8 =	vadd.s32 $0x30, v8  }
0x7d: {  	v20 =	vld.idx.msk [tilespmem:v56+s5+$0x0], $0xffff;
	v13 =	vadd.s32 v13, v18;
	v19 =	vmul.u32 $0x5, v19  }
0x7e: {  	v10 =	vadd.s32 v10, v15;
	v15 =	vld.idx.msk [tilespmem:v30+s5+$0x0], $0xffff;
	v61 =	vadd.s32 $0x30, v13;
	v9 =	vadd.s32 v9, v14  }
0x7f: {  	s28 =	simm.s32 $0x1D7C0;
	v12 =	vmul.u32 $0x5, v12;
	v14 =	vld.idx.msk [tilespmem:v29+s5+$0x0], $0xffff;
	v9 =	vadd.s32 $0x30, v9;
	v19 =	vadd.s32 v19, v21  }
0x80: {  	v7 =	vld.idx.msk [tilespmem:v7+s15+$0x0], $0xffff;
	v10 =	vadd.s32 $0x30, v10;
	[tilespmem:s28+$0x30] =	vst v6;
	v6 =	vmul.u32 $0x5, v22;
	v19 =	vadd.s32 $0x30, v19  }
0x81: {  	v12 =	vadd.s32 v12, v17;
	v17 =	vadd.s32 $0x30, v11;
	v11 =	vmul.u32 $0x5, v27;
	v8 =	vld.idx.msk [tilespmem:v8+s15+$0x0], $0xffff  }
0x82: {  	v18 =	vadd.s32 $0x30, v12;
	v12 =	vmul.u32 $0x5, v20;
	v21 =	vld.idx.msk [tilespmem:v58+s5+$0x0], $0xffff  }
0x83: {  	v11 =	vadd.s32 v11, v28;
	v6 =	vadd.s32 v6, v15;
	v15 =	vld.idx.msk [tilespmem:v61+s15+$0x0], $0xffff  }
0x84: {  	v12 =	vadd.s32 v12, v14;
	v14 =	vadd.s32 $0x30, v11;
	v62 =	vld.idx.msk [tilespmem:v9+s15+$0x0], $0xffff  }
0x85: {  	v63 =	vadd.s32 $0x30, v12;
	v19 =	vld.idx.msk [tilespmem:v19+s15+$0x0], $0xffff  }
0x86: {  	v11 =	vld.idx.msk [tilespmem:v10+s15+$0x0], $0xffff;
	v9 =	vmul.u32 $0x5, v23;
	[tilespmem:s28+$0xFFFFFFC0] =	vst v8;
	v8 =	vmul.u32 $0x5, v24  }
0x87: {  	v10 =	vmul.u32 $0x5, v25;
	v12 =	vld.idx.msk [tilespmem:v17+s15+$0x0], $0xffff;
	v17 =	vmul.u32 $0x5, v26  }
0x88: {  	[tilespmem:s28+$0xFFFFFFD0] =	vst v7;
	v7 =	vadd.s32 $0x30, v6;
	v13 =	vld.idx.msk [tilespmem:v18+s15+$0x0], $0xffff;
	v9 =	vadd.s32 v9, v16;
	v8 =	vadd.s32 v8, v59  }
0x89: {  	s26 =	simm.s32 $0x1D840;
	v6 =	vadd.s32 $0x30, v9;
	v9 =	vadd.s32 v10, v60;
	v10 =	vadd.s32 v17, v21;
	v14 =	vld.idx.msk [tilespmem:v14+s15+$0x0], $0xffff;
	[tilespmem:s28+$0xFFFFFFE0] =	vst v62  }
0x8a: {  	s29 =	simm.s32 $0x8;
	s30 =	simm.s32 $0x18A00;
	v8 =	vadd.s32 $0x30, v8;
	v9 =	vadd.s32 $0x30, v9;
	v10 =	vadd.s32 $0x30, v10;
	v16 =	vld.idx.msk [tilespmem:v63+s15+$0x0], $0xffff;
	[tilespmem:s26+$0x30] =	vst v19  }
.LBB2_4:
0x8b: {  	v17 =	vld [tilespmem:s30+$0xFFFFFFF0];
	s29 =	sadd.s32 $0x8, s29;
	[tilespmem:s28+$0xFFFFFFF0] =	vst v11  }
0x8c: {  	v11 =	vld [tilespmem:s30+$0xFFFFFF90];
	p0 =	slt.u32 s29, $0x138;
	[tilespmem:s28+$0x0] =	vst v12  }
0x8d: {  	v12 =	vld [tilespmem:s30+$0x70];
	[tilespmem:s28+$0x10] =	vst v13  }
0x8e: {  	v13 =	vld [tilespmem:s30+$0xFFFFFFA0];
	[tilespmem:s28+$0x20] =	vst v15;
	s28 =	smov.u32 s26  }
0x8f: {  	v15 =	vld [tilespmem:s30+$0xFFFFFFB0];
	[tilespmem:s26+$0xFFFFFFC0] =	vst v14  }
0x90: {  	v14 =	vld [tilespmem:s30+$0xFFFFFFC0];
	[tilespmem:s26+$0xFFFFFFD0] =	vst v16  }
0x91: {  	v16 =	vld [tilespmem:s30+$0xFFFFFFD0]  }
0x92: {  	v18 =	vld [tilespmem:s30+$0xFFFFFFE0]  }
0x93: {  	v17 =	vld.idx.msk [tilespmem:v17+s5+$0x0], $0xffff  }
0x94: {  	v19 =	vld [tilespmem:s30+$0xFFFFFF80]  }
0x95: {  	v12 =	vld.idx.msk [tilespmem:v12+s5+$0x0], $0xffff  }
0x96: {  	v20 =	vld [tilespmem:s30+$0x0]  }
0x97: {  	v21 =	vld [tilespmem:s30+$0x10]  }
0x98: {  	v22 =	vld [tilespmem:s30+$0x20]  }
0x99: {  	v17 =	vmul.u32 $0x5, v17;
	v23 =	vld [tilespmem:s30+$0x30]  }
0x9a: {  	v24 =	vld [tilespmem:s30+$0x40]  }
0x9b: {  	v12 =	vadd.s32 v17, v12;
	v25 =	vld [tilespmem:s30+$0x50]  }
0x9c: {  	v12 =	vadd.s32 $0x30, v12;
	v17 =	vld [tilespmem:s30+$0x60]  }
0x9d: {  	v19 =	vld.idx.msk [tilespmem:v19+s5+$0x0], $0xffff  }
0x9e: {  	v11 =	vld.idx.msk [tilespmem:v11+s5+$0x0], $0xffff  }
0x9f: {  	v13 =	vld.idx.msk [tilespmem:v13+s5+$0x0], $0xffff  }
0xa0: {  	v15 =	vld.idx.msk [tilespmem:v15+s5+$0x0], $0xffff  }
0xa1: {  	v12 =	vld.idx.msk [tilespmem:v12+s15+$0x0], $0xffff  }
0xa2: {  	v14 =	vld.idx.msk [tilespmem:v14+s5+$0x0], $0xffff  }
0xa3: {  	v19 =	vmul.u32 $0x5, v19;
	v16 =	vld.idx.msk [tilespmem:v16+s5+$0x0], $0xffff  }
0xa4: {  	v11 =	vmul.u32 $0x5, v11;
	v18 =	vld.idx.msk [tilespmem:v18+s5+$0x0], $0xffff  }
0xa5: {  	v13 =	vmul.u32 $0x5, v13;
	v20 =	vld.idx.msk [tilespmem:v20+s5+$0x0], $0xffff  }
0xa6: {  	s26 =	sadd.s32 $0x80, s26;
	v15 =	vmul.u32 $0x5, v15;
	v21 =	vld.idx.msk [tilespmem:v21+s5+$0x0], $0xffff  }
0xa7: {  	v22 =	vld.idx.msk [tilespmem:v22+s5+$0x0], $0xffff;
	[tilespmem:s26+$0x30] =	vst v12  }
0xa8: {  	v14 =	vmul.u32 $0x5, v14;
	v12 =	vld.idx.msk [tilespmem:v23+s5+$0x0], $0xffff  }
0xa9: {  	v16 =	vmul.u32 $0x5, v16;
	v23 =	vld.idx.msk [tilespmem:v24+s5+$0x0], $0xffff  }
0xaa: {  	v18 =	vmul.u32 $0x5, v18;
	v24 =	vld.idx.msk [tilespmem:v25+s5+$0x0], $0xffff  }
0xab: {  	v19 =	vadd.s32 v19, v20;
	v17 =	vld.idx.msk [tilespmem:v17+s5+$0x0], $0xffff  }
0xac: {  	v19 =	vadd.s32 $0x30, v19;
	v11 =	vadd.s32 v11, v21;
	v20 =	vld.idx.msk [tilespmem:v7+s15+$0x0], $0xffff  }
0xad: {  	v21 =	vadd.s32 $0x30, v11;
	v7 =	vadd.s32 v13, v22;
	v11 =	vld.idx.msk [tilespmem:v6+s15+$0x0], $0xffff  }
.Ltmp5:
0xae: {  	v7 =	vadd.s32 $0x30, v7;
	v6 =	vadd.s32 v15, v12;
	v12 =	vld.idx.msk [tilespmem:v8+s15+$0x0], $0xffff;
	(pc) =	sbr.rel @p0 .LBB2_4-.Ltmp5, $4  }
0xaf: {  	v6 =	vadd.s32 $0x30, v6;
	v8 =	vadd.s32 v14, v23;
	v13 =	vld.idx.msk [tilespmem:v9+s15+$0x0], $0xffff  }
0xb0: {  	v8 =	vadd.s32 $0x30, v8;
	v9 =	vadd.s32 v16, v24;
	v15 =	vld.idx.msk [tilespmem:v10+s15+$0x0], $0xffff  }
0xb1: {  	v9 =	vadd.s32 $0x30, v9;
	v10 =	vadd.s32 v18, v17;
	v14 =	vld.idx.msk [tilespmem:v19+s15+$0x0], $0xffff  }
0xb2: {  	s30 =	sadd.s32 $0x100, s30;
	v10 =	vadd.s32 $0x30, v10;
	v16 =	vld.idx.msk [tilespmem:v21+s15+$0x0], $0xffff;
	[tilespmem:s28+$0xFFFFFFE0] =	vst v20  }
0xb3: {  	_ =	sdelay $0x2  }
0xb4: {  	[tilespmem:s28+$0xFFFFFFF0] =	vst v11  }
0xb5: {  	[tilespmem:s28+$0x0] =	vst v12;
	v7 =	vld.idx.msk [tilespmem:v7+s15+$0x0], $0xffff  }
0xb6: {  	v6 =	vld.idx.msk [tilespmem:v6+s15+$0x0], $0xffff;
	[tilespmem:s28+$0x10] =	vst v13  }
0xb7: {  	v8 =	vld.idx.msk [tilespmem:v8+s15+$0x0], $0xffff;
	[tilespmem:s28+$0x20] =	vst v15  }
0xb8: {  	v9 =	vld.idx.msk [tilespmem:v9+s15+$0x0], $0xffff;
	[tilespmem:s26+$0xFFFFFFC0] =	vst v14  }
0xb9: {  	v10 =	vld.idx.msk [tilespmem:v10+s15+$0x0], $0xffff;
	[tilespmem:s26+$0xFFFFFFD0] =	vst v16  }
0xba: {  	s28 =	sadd.s32 $0x2, s23;
	[tilespmem:s26+$0xFFFFFFE0] =	vst v7  }
0xbb: {  	s29 =	smul.u32 $0x1400, s24;
	p0 =	sge.u32 s28, s8;
	[tilespmem:s26+$0xFFFFFFF0] =	vst v6  }
0xbc: {  	s28 =	sshll.u32 @!p0 s28, $0x5;
	[tilespmem:s26+$0x0] =	vst v8  }
0xbd: {  	s29 =	sshrl.u32 s29, $0x3;
	[tilespmem:s26+$0x10] =	vst v9;
	s28 =	sor.u32 @!p0 s6, s28  }
0xbe: {  	s31 =	sadd.s32 s4, s29;
	[tilespmem:s26+$0x20] =	vst v10;
	s28 =	smul.u32 @!p0 $0x500, s28  }
0xbf: {  	[hbm4b:s31+s5] =	stream.linear.scatter [tilespmem:s21], [sflag:$0x3], $0x1400, $0x38;
	[tilespmem:$0x1FF80] =	vst v63  }
0xc0: {  	s29 =	simm.s32 @!p0 $0x18780;
	s26 =	sadd.s32 @!p0 s1, s28;
	s28 =	simm.s32 @!p0 $0x0  }
0xc1: {  	[tilespmem:s29], [sflag:$0x1] =	stream.linear.gather @!p0 [hbm4b:s26+s28], $0x2800, $0x38;
	[tilespmem:$0x1FF80] =	vst v63  }
0xc2: {  	p0 =	seq.s32 s25, $0x0  }
.Ltmp6:
0xc3: {  	_ = 	snop;
	(pc) =	sbr.rel @p0 .LBB2_9-.Ltmp6, $1  }
0xc4: {  	_ =	sdelay $0x3  }
.LBB2_6:
0xc5: {  	_ =	swait.ge [sflag:s16], $0x2800  }
0xc6: {  	p0 =	slt.u32 s23, $0x2;
	[sflag:s16] =	ssyncset.done $0x0  }
0xc7: {  	s25 =	simm.s32 @!p0 $0x4;
	[sflag:s16] =	ssyncadd.s32 $0xFFFFD800  }
0xc8: {  	_ =	swait.ge @!p0 [sflag:s25], $0x1400  }
0xc9: {  	[sflag:s25] =	ssyncset.done @!p0 $0x0  }
0xca: {  	s30 =	simm.s32 $0x1B000;
	[sflag:s25] =	ssyncadd.s32 @!p0 $0xFFFFEC00  }
0xcb: {  	v6 =	vld [tilespmem:s30+$0xFFFFFFF0]  }
0xcc: {  	v7 =	vld [tilespmem:s30+$0xFFFFFF90]  }
0xcd: {  	v8 =	vld [tilespmem:s30+$0x70]  }
0xce: {  	v9 =	vld [tilespmem:s30+$0xFFFFFFA0]  }
0xcf: {  	v10 =	vld [tilespmem:s30+$0xFFFFFFB0]  }
0xd0: {  	v11 =	vld [tilespmem:s30+$0xFFFFFFC0]  }
0xd1: {  	v12 =	vld [tilespmem:s30+$0xFFFFFFD0]  }
0xd2: {  	v13 =	vld [tilespmem:s30+$0xFFFFFFE0]  }
0xd3: {  	v14 =	vld [tilespmem:s30+$0xFFFFFF80]  }
0xd4: {  	v15 =	vld [tilespmem:s30+$0x0]  }
0xd5: {  	v16 =	vld [tilespmem:s30+$0x10]  }
0xd6: {  	v17 =	vld [tilespmem:s30+$0x20]  }
0xd7: {  	v18 =	vld [tilespmem:s30+$0x30]  }
0xd8: {  	v19 =	vld [tilespmem:s30+$0x40]  }
0xd9: {  	v20 =	vld [tilespmem:s30+$0x50]  }
0xda: {  	s31 =	simm.s32 $0x1B100;
	v21 =	vld [tilespmem:s30+$0x60]  }
0xdb: {  	v56 =	vld [tilespmem:s31+$0xFFFFFF90]  }
0xdc: {  	v57 =	vld [tilespmem:s31+$0x70]  }
0xdd: {  	v22 =	vld [tilespmem:s31+$0xFFFFFFA0]  }
0xde: {  	v23 =	vld [tilespmem:s31+$0xFFFFFFB0]  }
0xdf: {  	v24 =	vld [tilespmem:s31+$0xFFFFFFC0]  }
0xe0: {  	v25 =	vld [tilespmem:s31+$0xFFFFFFD0]  }
0xe1: {  	v26 =	vld [tilespmem:s31+$0xFFFFFFE0]  }
0xe2: {  	v27 =	vld [tilespmem:s31+$0xFFFFFF80]  }
0xe3: {  	v28 =	vld [tilespmem:s31+$0x0]  }
0xe4: {  	v29 =	vld [tilespmem:s31+$0x10]  }
0xe5: {  	v30 =	vld [tilespmem:s31+$0x20]  }
0xe6: {  	v31 =	vld [tilespmem:s31+$0x30]  }
0xe7: {  	v32 =	vld [tilespmem:s31+$0x40]  }
0xe8: {  	v33 =	vld [tilespmem:s31+$0x50]  }
0xe9: {  	v58 =	vld [tilespmem:s31+$0x60]  }
0xea: {  	v6 =	vld.idx.msk [tilespmem:v6+s5+$0x0], $0xffff  }
0xeb: {  	v8 =	vld.idx.msk [tilespmem:v8+s5+$0x0], $0xffff  }
0xec: {  	v7 =	vld.idx.msk [tilespmem:v7+s5+$0x0], $0xffff  }
0xed: {  	v9 =	vld.idx.msk [tilespmem:v9+s5+$0x0], $0xffff  }
0xee: {  	v10 =	vld.idx.msk [tilespmem:v10+s5+$0x0], $0xffff  }
0xef: {  	v11 =	vld.idx.msk [tilespmem:v11+s5+$0x0], $0xffff  }
0xf0: {  	v12 =	vld.idx.msk [tilespmem:v12+s5+$0x0], $0xffff  }
0xf1: {  	v13 =	vld.idx.msk [tilespmem:v13+s5+$0x0], $0xffff  }
0xf2: {  	v27 =	vld.idx.msk [tilespmem:v27+s5+$0x0], $0xffff  }
0xf3: {  	v22 =	vld.idx.msk [tilespmem:v22+s5+$0x0], $0xffff  }
0xf4: {  	v23 =	vld.idx.msk [tilespmem:v23+s5+$0x0], $0xffff  }
0xf5: {  	v24 =	vld.idx.msk [tilespmem:v24+s5+$0x0], $0xffff;
	v6 =	vmul.u32 $0x5, v6  }
0xf6: {  	v25 =	vld.idx.msk [tilespmem:v25+s5+$0x0], $0xffff  }
0xf7: {  	v6 =	vadd.s32 v6, v8;
	v8 =	vld.idx.msk [tilespmem:v14+s5+$0x0], $0xffff  }
0xf8: {  	v14 =	vld.idx.msk [tilespmem:v15+s5+$0x0], $0xffff  }
0xf9: {  	v15 =	vld.idx.msk [tilespmem:v16+s5+$0x0], $0xffff  }
0xfa: {  	v16 =	vld.idx.msk [tilespmem:v19+s5+$0x0], $0xffff  }
0xfb: {  	v19 =	vld [tilespmem:s31+$0xFFFFFFF0]  }
0xfc: {  	v26 =	vld.idx.msk [tilespmem:v26+s5+$0x0], $0xffff  }
0xfd: {  	v28 =	vld.idx.msk [tilespmem:v28+s5+$0x0], $0xffff  }
0xfe: {  	v59 =	vld.idx.msk [tilespmem:v32+s5+$0x0], $0xffff;
	v7 =	vmul.u32 $0x5, v7  }
0xff: {  	v60 =	vld.idx.msk [tilespmem:v33+s5+$0x0], $0xffff  }
0x100: {  	v7 =	vadd.s32 v7, v15;
	v15 =	vld.idx.msk [tilespmem:v18+s5+$0x0], $0xffff  }
0x101: {  	v6 =	vadd.s32 $0x30, v6;
	v18 =	vld.idx.msk [tilespmem:v21+s5+$0x0], $0xffff  }
0x102: {  	v8 =	vmul.u32 $0x5, v8;
	v21 =	vld.idx.msk [tilespmem:v57+s5+$0x0], $0xffff  }
0x103: {  	v11 =	vmul.u32 $0x5, v11;
	v19 =	vld.idx.msk [tilespmem:v19+s5+$0x0], $0xffff  }
0x104: {  	v8 =	vadd.s32 v8, v14;
	v14 =	vld.idx.msk [tilespmem:v17+s5+$0x0], $0xffff  }
0x105: {  	v11 =	vadd.s32 v11, v16;
	v16 =	vld.idx.msk [tilespmem:v31+s5+$0x0], $0xffff  }
0x106: {  	v13 =	vmul.u32 $0x5, v13;
	v6 =	vld.idx.msk [tilespmem:v6+s15+$0x0], $0xffff;
	v7 =	vadd.s32 $0x30, v7  }
0x107: {  	v9 =	vmul.u32 $0x5, v9;
	v10 =	vmul.u32 $0x5, v10;
	v17 =	vld.idx.msk [tilespmem:v20+s5+$0x0], $0xffff;
	v8 =	vadd.s32 $0x30, v8  }
0x108: {  	v20 =	vld.idx.msk [tilespmem:v56+s5+$0x0], $0xffff;
	v13 =	vadd.s32 v13, v18;
	v19 =	vmul.u32 $0x5, v19  }
0x109: {  	v10 =	vadd.s32 v10, v15;
	v15 =	vld.idx.msk [tilespmem:v30+s5+$0x0], $0xffff;
	v61 =	vadd.s32 $0x30, v13;
	v9 =	vadd.s32 v9, v14  }
0x10a: {  	s26 =	simm.s32 $0x1EBC0;
	v12 =	vmul.u32 $0x5, v12;
	v14 =	vld.idx.msk [tilespmem:v29+s5+$0x0], $0xffff;
	v9 =	vadd.s32 $0x30, v9;
	v19 =	vadd.s32 v19, v21  }
0x10b: {  	v7 =	vld.idx.msk [tilespmem:v7+s15+$0x0], $0xffff;
	v10 =	vadd.s32 $0x30, v10;
	[tilespmem:s26+$0x30] =	vst v6;
	v6 =	vmul.u32 $0x5, v22;
	v19 =	vadd.s32 $0x30, v19  }
0x10c: {  	v12 =	vadd.s32 v12, v17;
	v17 =	vadd.s32 $0x30, v11;
	v11 =	vmul.u32 $0x5, v27;
	v8 =	vld.idx.msk [tilespmem:v8+s15+$0x0], $0xffff  }
0x10d: {  	v18 =	vadd.s32 $0x30, v12;
	v12 =	vmul.u32 $0x5, v20;
	v21 =	vld.idx.msk [tilespmem:v58+s5+$0x0], $0xffff  }
0x10e: {  	v11 =	vadd.s32 v11, v28;
	v6 =	vadd.s32 v6, v15;
	v15 =	vld.idx.msk [tilespmem:v61+s15+$0x0], $0xffff  }
0x10f: {  	v12 =	vadd.s32 v12, v14;
	v14 =	vadd.s32 $0x30, v11;
	v62 =	vld.idx.msk [tilespmem:v9+s15+$0x0], $0xffff  }
0x110: {  	v63 =	vadd.s32 $0x30, v12;
	v19 =	vld.idx.msk [tilespmem:v19+s15+$0x0], $0xffff  }
0x111: {  	v11 =	vld.idx.msk [tilespmem:v10+s15+$0x0], $0xffff;
	v9 =	vmul.u32 $0x5, v23;
	[tilespmem:s26+$0xFFFFFFC0] =	vst v8;
	v8 =	vmul.u32 $0x5, v24  }
0x112: {  	v10 =	vmul.u32 $0x5, v25;
	v12 =	vld.idx.msk [tilespmem:v17+s15+$0x0], $0xffff;
	v17 =	vmul.u32 $0x5, v26  }
0x113: {  	[tilespmem:s26+$0xFFFFFFD0] =	vst v7;
	v7 =	vadd.s32 $0x30, v6;
	v13 =	vld.idx.msk [tilespmem:v18+s15+$0x0], $0xffff;
	v9 =	vadd.s32 v9, v16;
	v8 =	vadd.s32 v8, v59  }
0x114: {  	s25 =	simm.s32 $0x1EC40;
	v6 =	vadd.s32 $0x30, v9;
	v9 =	vadd.s32 v10, v60;
	v10 =	vadd.s32 v17, v21;
	v14 =	vld.idx.msk [tilespmem:v14+s15+$0x0], $0xffff;
	[tilespmem:s26+$0xFFFFFFE0] =	vst v62  }
0x115: {  	s28 =	simm.s32 $0x8;
	s29 =	simm.s32 $0x1B200;
	v8 =	vadd.s32 $0x30, v8;
	v9 =	vadd.s32 $0x30, v9;
	v10 =	vadd.s32 $0x30, v10;
	v16 =	vld.idx.msk [tilespmem:v63+s15+$0x0], $0xffff;
	[tilespmem:s25+$0x30] =	vst v19  }
.LBB2_7:
0x116: {  	v17 =	vld [tilespmem:s29+$0xFFFFFFF0];
	s28 =	sadd.s32 $0x8, s28;
	[tilespmem:s26+$0xFFFFFFF0] =	vst v11  }
0x117: {  	v11 =	vld [tilespmem:s29+$0xFFFFFF90];
	p0 =	slt.u32 s28, $0x138;
	[tilespmem:s26+$0x0] =	vst v12  }
0x118: {  	v12 =	vld [tilespmem:s29+$0x70];
	[tilespmem:s26+$0x10] =	vst v13  }
0x119: {  	v13 =	vld [tilespmem:s29+$0xFFFFFFA0];
	[tilespmem:s26+$0x20] =	vst v15;
	s26 =	smov.u32 s25  }
0x11a: {  	v15 =	vld [tilespmem:s29+$0xFFFFFFB0];
	[tilespmem:s25+$0xFFFFFFC0] =	vst v14  }
0x11b: {  	v14 =	vld [tilespmem:s29+$0xFFFFFFC0];
	[tilespmem:s25+$0xFFFFFFD0] =	vst v16  }
0x11c: {  	v16 =	vld [tilespmem:s29+$0xFFFFFFD0]  }
0x11d: {  	v18 =	vld [tilespmem:s29+$0xFFFFFFE0]  }
0x11e: {  	v17 =	vld.idx.msk [tilespmem:v17+s5+$0x0], $0xffff  }
0x11f: {  	v19 =	vld [tilespmem:s29+$0xFFFFFF80]  }
0x120: {  	v12 =	vld.idx.msk [tilespmem:v12+s5+$0x0], $0xffff  }
0x121: {  	v20 =	vld [tilespmem:s29+$0x0]  }
0x122: {  	v21 =	vld [tilespmem:s29+$0x10]  }
0x123: {  	v22 =	vld [tilespmem:s29+$0x20]  }
0x124: {  	v17 =	vmul.u32 $0x5, v17;
	v23 =	vld [tilespmem:s29+$0x30]  }
0x125: {  	v24 =	vld [tilespmem:s29+$0x40]  }
0x126: {  	v12 =	vadd.s32 v17, v12;
	v25 =	vld [tilespmem:s29+$0x50]  }
0x127: {  	v12 =	vadd.s32 $0x30, v12;
	v17 =	vld [tilespmem:s29+$0x60]  }
0x128: {  	v19 =	vld.idx.msk [tilespmem:v19+s5+$0x0], $0xffff  }
0x129: {  	v11 =	vld.idx.msk [tilespmem:v11+s5+$0x0], $0xffff  }
0x12a: {  	v13 =	vld.idx.msk [tilespmem:v13+s5+$0x0], $0xffff  }
0x12b: {  	v15 =	vld.idx.msk [tilespmem:v15+s5+$0x0], $0xffff  }
0x12c: {  	v12 =	vld.idx.msk [tilespmem:v12+s15+$0x0], $0xffff  }
0x12d: {  	v14 =	vld.idx.msk [tilespmem:v14+s5+$0x0], $0xffff  }
0x12e: {  	v19 =	vmul.u32 $0x5, v19;
	v16 =	vld.idx.msk [tilespmem:v16+s5+$0x0], $0xffff  }
0x12f: {  	v11 =	vmul.u32 $0x5, v11;
	v18 =	vld.idx.msk [tilespmem:v18+s5+$0x0], $0xffff  }
0x130: {  	v13 =	vmul.u32 $0x5, v13;
	v20 =	vld.idx.msk [tilespmem:v20+s5+$0x0], $0xffff  }
0x131: {  	s25 =	sadd.s32 $0x80, s25;
	v15 =	vmul.u32 $0x5, v15;
	v21 =	vld.idx.msk [tilespmem:v21+s5+$0x0], $0xffff  }
0x132: {  	v22 =	vld.idx.msk [tilespmem:v22+s5+$0x0], $0xffff;
	[tilespmem:s25+$0x30] =	vst v12  }
0x133: {  	v14 =	vmul.u32 $0x5, v14;
	v12 =	vld.idx.msk [tilespmem:v23+s5+$0x0], $0xffff  }
0x134: {  	v16 =	vmul.u32 $0x5, v16;
	v23 =	vld.idx.msk [tilespmem:v24+s5+$0x0], $0xffff  }
0x135: {  	v18 =	vmul.u32 $0x5, v18;
	v24 =	vld.idx.msk [tilespmem:v25+s5+$0x0], $0xffff  }
0x136: {  	v19 =	vadd.s32 v19, v20;
	v17 =	vld.idx.msk [tilespmem:v17+s5+$0x0], $0xffff  }
0x137: {  	v19 =	vadd.s32 $0x30, v19;
	v11 =	vadd.s32 v11, v21;
	v20 =	vld.idx.msk [tilespmem:v7+s15+$0x0], $0xffff  }
0x138: {  	v21 =	vadd.s32 $0x30, v11;
	v7 =	vadd.s32 v13, v22;
	v11 =	vld.idx.msk [tilespmem:v6+s15+$0x0], $0xffff  }
.Ltmp7:
0x139: {  	v7 =	vadd.s32 $0x30, v7;
	v6 =	vadd.s32 v15, v12;
	v12 =	vld.idx.msk [tilespmem:v8+s15+$0x0], $0xffff;
	(pc) =	sbr.rel @p0 .LBB2_7-.Ltmp7, $4  }
0x13a: {  	v6 =	vadd.s32 $0x30, v6;
	v8 =	vadd.s32 v14, v23;
	v13 =	vld.idx.msk [tilespmem:v9+s15+$0x0], $0xffff  }
0x13b: {  	v8 =	vadd.s32 $0x30, v8;
	v9 =	vadd.s32 v16, v24;
	v15 =	vld.idx.msk [tilespmem:v10+s15+$0x0], $0xffff  }
0x13c: {  	v9 =	vadd.s32 $0x30, v9;
	v10 =	vadd.s32 v18, v17;
	v14 =	vld.idx.msk [tilespmem:v19+s15+$0x0], $0xffff  }
0x13d: {  	s29 =	sadd.s32 $0x100, s29;
	v10 =	vadd.s32 $0x30, v10;
	v16 =	vld.idx.msk [tilespmem:v21+s15+$0x0], $0xffff;
	[tilespmem:s26+$0xFFFFFFE0] =	vst v20  }
0x13e: {  	_ =	sdelay $0x2  }
0x13f: {  	[tilespmem:s26+$0xFFFFFFF0] =	vst v11  }
0x140: {  	[tilespmem:s26+$0x0] =	vst v12;
	v7 =	vld.idx.msk [tilespmem:v7+s15+$0x0], $0xffff  }
0x141: {  	v6 =	vld.idx.msk [tilespmem:v6+s15+$0x0], $0xffff;
	[tilespmem:s26+$0x10] =	vst v13  }
0x142: {  	v8 =	vld.idx.msk [tilespmem:v8+s15+$0x0], $0xffff;
	[tilespmem:s26+$0x20] =	vst v15  }
0x143: {  	v9 =	vld.idx.msk [tilespmem:v9+s15+$0x0], $0xffff;
	[tilespmem:s25+$0xFFFFFFC0] =	vst v14  }
0x144: {  	v10 =	vld.idx.msk [tilespmem:v10+s15+$0x0], $0xffff;
	[tilespmem:s25+$0xFFFFFFD0] =	vst v16  }
0x145: {  	s26 =	sadd.s32 $0x2, s23;
	[tilespmem:s25+$0xFFFFFFE0] =	vst v7  }
0x146: {  	s24 =	smul.u32 $0x1400, s24;
	p0 =	sge.u32 s26, s8;
	[tilespmem:s25+$0xFFFFFFF0] =	vst v6  }
0x147: {  	s26 =	sshll.u32 @!p0 s26, $0x5;
	[tilespmem:s25+$0x0] =	vst v8  }
.Ltmp8:
0x148: {  	s24 =	sshrl.u32 s24, $0x3;
	[tilespmem:s25+$0x10] =	vst v9;
	s26 =	sor.u32 @!p0 s6, s26;
	(pc) =	sbr.rel .LBB2_9-.Ltmp8, $4  }
0x149: {  	s24 =	sadd.s32 s4, s24;
	[tilespmem:s25+$0x20] =	vst v10;
	s25 =	smul.u32 @!p0 $0x500, s26  }
0x14a: {  	[hbm4b:s24+s5] =	stream.linear.scatter [tilespmem:s17], [sflag:$0x4], $0x1400, $0x38;
	[tilespmem:$0x1FF80] =	vst v63  }
0x14b: {  	s26 =	simm.s32 @!p0 $0x1AF80;
	s24 =	sadd.s32 @!p0 s1, s25;
	s25 =	simm.s32 @!p0 $0x0  }
0x14c: {  	[tilespmem:s26], [sflag:$0x2] =	stream.linear.gather @!p0 [hbm4b:s24+s25], $0x2800, $0x38;
	[tilespmem:$0x1FF80] =	vst v63  }
.LBB2_11:
0x14d: {  	_ =	sfence.sel $0x180000  }
0x14e: {  	[bflag:$0x0] =	sbarrier.arrive $0xFFFF  }
0x14f: {  	p0 =	sne.s32 s2, $0x0;
	_ =	strace $0x90000047  }
0x150: {  	s0 =	sadd.s32 @!p0 $0x100000, s3;
	[bflag:$0x2] =	sbarrier.arrive $0xFFFF  }
0x151: {  	[sflag:s0] =	ssyncadd.tile.s32 @!p0 $0x1;
	_ =	shalt  }
.Lfunc_end2:
_tile_overlayer_lowered:
.L_overlay_start_2:
0x152: {  	(tag) =	ssettag $0x2  }
0x153: {  	s0 =	rddreg [dreg:$0x0];
	s2 =	stileid.u32  }
0x154: {  	s1 =	rddreg [dreg:$0x1];
	p0 =	sne.s32 s2, $0x0  }
0x155: {  	s3 =	rddreg [dreg:$0x2];
	[bflag:$0x3] =	sbarrier.arrive $0xFFFF;
	s2 =	simm.s32 @!p0 $0x1C05  }
0x156: {  	[timem:s3], [sflag:s2] =	dma.local @!p0 [hbm:s0], s1  }
0x157: {  	s0 =	simm.s32 @!p0 $0x5  }
0x158: {  	_ =	swait.ge @!p0 [sflag:s0], s1  }
0x159: {  	s1 =	ssub.s32 @!p0 $0x0, s1;
	[sflag:s0] =	ssyncset.done @!p0 $0x0  }
0x15a: {  	[sflag:s0] =	ssyncadd.s32 @!p0 s1  }
0x15b: {  	[bflag:$0x3] =	sbarrier.arrive $0xFFFF  }
0x15c: {  	_ =	shalt  }

</sc_bundles>
